<compile_context>
chip_gen: v7x
topology: tpu7x:2x2x1
jax: 0.10.2.dev20260603
libtpu: 0.0.44.dev20260713+nightly
codegen_flags: <defaults>
</compile_context>

<pallas_src>
import functools

import jax
import jax.numpy as jnp
from jax import lax
from jax.experimental import pallas as pl
from jax.experimental.pallas import tpu as pltpu
from jax.experimental.pallas import tpu_sc as plsc

_EPS = 1e-5
_NEG = 0.1
_INFL = 0.08
_KNN = 16
_KPTS = 15
_TROW = 128


def _leaky(v):
    return jnp.where(v >= 0, v, _NEG * v)


def _bn_act(v, g, b):
    m = jnp.mean(v, axis=0, keepdims=True)
    var = jnp.mean((v - m) ** 2, axis=0, keepdims=True)
    return _leaky((v - m) / jnp.sqrt(var + _EPS) * g + b)


def _unary1_body(x_ref, w_ref, g_ref, b_ref, xyz_ref, kptst_ref,
                 h_ref, p_ref):
    y = jnp.dot(x_ref[...], w_ref[...], preferred_element_type=jnp.float32)
    h_ref[...] = _bn_act(y, g_ref[...], b_ref[...])
    p_ref[...] = (xyz_ref[:, 0:1] * kptst_ref[0:1, :]
                  + xyz_ref[:, 1:2] * kptst_ref[1:2, :]
                  + xyz_ref[:, 2:3] * kptst_ref[2:3, :])


def _knn_body(q_rows, npad, big, xyzq_ref, xyzt_ref, oi_ref, om_ref):
    qx = xyzq_ref[:, 0:1]
    qy = xyzq_ref[:, 1:2]
    qz = xyzq_ref[:, 2:3]
    dx = qx - xyzt_ref[0:1, :]
    dy = qy - xyzt_ref[1:2, :]
    dz = qz - xyzt_ref[2:3, :]
    d2 = dx * dx + dy * dy + dz * dz
    iota = jax.lax.broadcasted_iota(jnp.int32, (q_rows, npad), 1)
    lane16 = jax.lax.broadcasted_iota(jnp.int32, (q_rows, _KNN), 1)
    idxacc = jnp.zeros((q_rows, _KNN), jnp.int32)
    macc = jnp.zeros((q_rows, _KNN), jnp.float32)

    def step(t, carry):
        d2, idxacc, macc = carry
        m = jnp.min(d2, axis=1, keepdims=True)
        amin = jnp.min(jnp.where(d2 == m, iota, npad), axis=1, keepdims=True)
        d2 = jnp.where(iota == amin, big, d2)
        idxacc = jnp.where(lane16 == t, amin, idxacc)
        macc = jnp.where(lane16 == t, m, macc)
        return d2, idxacc, macc

    _, idxacc, macc = jax.lax.fori_loop(0, _KNN, step, (d2, idxacc, macc))
    oi_ref[...] = idxacc
    om_ref[...] = macc


def _agg_body(q_rows, xyzq_dummy, fr_ref, msel_ref, pq_ref, ck_ref, wkp_ref,
              o_ref):
    two_pq_ck = 2.0 * pq_ref[...] + ck_ref[...]
    accs = [jnp.zeros((q_rows, 32), jnp.float32) for _ in range(_KPTS)]
    for t in range(_KNN):
        feat = fr_ref[:, t * _TROW:t * _TROW + 32]
        pg = fr_ref[:, t * _TROW + 32:t * _TROW + 32 + _KPTS]
        m = msel_ref[:, t:t + 1]
        sq = jnp.maximum(m - 2.0 * pg + two_pq_ck, 0.0)
        w = jnp.maximum(1.0 - jnp.sqrt(sq + 1e-12) / _INFL, 0.0)
        for k in range(_KPTS):
            accs[k] = accs[k] + w[:, k:k + 1] * feat
    out = jnp.zeros((q_rows, 32), jnp.float32)
    for k in range(_KPTS):
        out = out + jnp.dot(accs[k], wkp_ref[k],
                            preferred_element_type=jnp.float32)
    o_ref[...] = out


def _post_body(a_ref, gk_ref, bk_ref, w2_ref, g2_ref, b2_ref, xs_ref, o_ref):
    h = _bn_act(a_ref[...], gk_ref[...], bk_ref[...])
    y = jnp.dot(h, w2_ref[...], preferred_element_type=jnp.float32)
    o_ref[...] = _bn_act(y, g2_ref[...], b2_ref[...]) + xs_ref[...]


@jax.jit
def kernel(pos, x, W1, g1, b1, kpts, Wkp, gk, bk, W2, g2, b2):
    n, d_in = x.shape
    d2ch = W1.shape[1]
    xyz = pos[:, 1:4]
    kptst = kpts.T

    h1, p_proj = pl.pallas_call(
        _unary1_body,
        out_shape=[jax.ShapeDtypeStruct((n, d2ch), jnp.float32),
                   jax.ShapeDtypeStruct((n, _KPTS), jnp.float32)],
    )(x, W1, g1.reshape(1, -1), b1.reshape(1, -1), xyz, kptst)

    q_rows = 256
    npad = ((n + q_rows - 1) // q_rows) * q_rows
    pad = npad - n
    padv = 1e6
    xyz_pad = jnp.concatenate(
        [xyz, jnp.full((pad, 3), padv, jnp.float32)], axis=0)
    p_pad = jnp.concatenate([p_proj, jnp.zeros((pad, _KPTS), jnp.float32)],
                            axis=0)
    xyzt = xyz_pad.T
    ck = jnp.sum(kpts * kpts, axis=1).reshape(1, -1)
    grid = npad // q_rows

    knn = functools.partial(_knn_body, q_rows, npad, 1e30)
    idx, msel = pl.pallas_call(
        knn,
        grid=(grid,),
        in_specs=[
            pl.BlockSpec((q_rows, 3), lambda i: (i, 0)),
            pl.BlockSpec((3, npad), lambda i: (0, 0)),
        ],
        out_specs=[pl.BlockSpec((q_rows, _KNN), lambda i: (i, 0)),
                   pl.BlockSpec((q_rows, _KNN), lambda i: (i, 0))],
        out_shape=[jax.ShapeDtypeStruct((npad, _KNN), jnp.int32),
                   jax.ShapeDtypeStruct((npad, _KNN), jnp.float32)],
        compiler_params=pltpu.CompilerParams(
            dimension_semantics=("arbitrary",)),
    )(xyz_pad, xyzt)

    t2 = jnp.concatenate([
        jnp.concatenate([h1, jnp.zeros((pad, d2ch), jnp.float32)], axis=0),
        p_pad,
        jnp.zeros((npad, _TROW - d2ch - _KPTS), jnp.float32),
    ], axis=1)
    idx_flat = idx.reshape(-1)
    n_edges = npad * _KNN

    info = plsc.get_sparse_core_info()
    nc, ns = info.num_cores, info.num_subcores
    nw = nc * ns
    per_w = n_edges // nw
    ch = 128
    n_ch = per_w // ch
    mesh = plsc.VectorSubcoreMesh(core_axis_name="c", subcore_axis_name="s")

    @functools.partial(
        pl.kernel, mesh=mesh,
        out_type=jax.ShapeDtypeStruct((n_edges, _TROW), jnp.float32),
        scratch_types=[
            pltpu.VMEM((ch,), jnp.int32),
            pltpu.VMEM((ch, _TROW), jnp.float32),
            pltpu.SemaphoreType.DMA,
        ],
    )
    def sc_gather(table_hbm, idx_hbm, out_hbm, idx_v, rows_v, sem):
        wid = lax.axis_index("s") * nc + lax.axis_index("c")
        base0 = wid * per_w

        def body(c, carry):
            base = base0 + c * ch
            pltpu.sync_copy(idx_hbm.at[pl.ds(base, ch)], idx_v)
            pltpu.async_copy(table_hbm.at[idx_v], rows_v, sem).wait()
            pltpu.sync_copy(rows_v, out_hbm.at[pl.ds(base, ch)])
            return carry

        lax.fori_loop(0, n_ch, body, 0)

    f_rows = sc_gather(t2, idx_flat)
    fr = f_rows.reshape(npad, _KNN * _TROW)

    agg_fn = functools.partial(_agg_body, q_rows)
    agg = pl.pallas_call(
        agg_fn,
        grid=(grid,),
        in_specs=[
            pl.BlockSpec((q_rows, 3), lambda i: (i, 0)),
            pl.BlockSpec((q_rows, _KNN * _TROW), lambda i: (i, 0)),
            pl.BlockSpec((q_rows, _KNN), lambda i: (i, 0)),
            pl.BlockSpec((q_rows, _KPTS), lambda i: (i, 0)),
            pl.BlockSpec((1, _KPTS), lambda i: (0, 0)),
            pl.BlockSpec((_KPTS, d2ch, d2ch), lambda i: (0, 0, 0)),
        ],
        out_specs=pl.BlockSpec((q_rows, d2ch), lambda i: (i, 0)),
        out_shape=jax.ShapeDtypeStruct((npad, d2ch), jnp.float32),
        compiler_params=pltpu.CompilerParams(
            dimension_semantics=("arbitrary",)),
    )(xyz_pad, fr, msel, p_pad, ck, Wkp)
    agg = agg[:n]

    out = pl.pallas_call(
        _post_body,
        out_shape=jax.ShapeDtypeStruct((n, d_in), jnp.float32),
    )(agg, gk.reshape(1, -1), bk.reshape(1, -1), W2, g2.reshape(1, -1),
      b2.reshape(1, -1), x)
    return out

# --- scband reference (transcript-rebuilt; emitter-appended) ---
"""Pipeline reference for scband-resnet-bblock-67997922230599 (READ-ONLY COPY).

The authoritative reference and input builder live on the scoring server;
editing this copy changes nothing except your own understanding.
"""

import jax, jax.numpy as jnp
import numpy as np

N = 10000
D_IN = 128
D2 = 32
K_PTS = 15
KNN = 16
PREV_GRID = 0.08
SIGMA = 1.0
INFLUENCE = PREV_GRID * SIGMA
EPS = 1e-5
NEG_SLOPE = 0.1


def setup_inputs(seed: int = 0) -> dict:
    key = jax.random.key(seed)
    ks = jax.random.split(key, 8)
    xyz = jax.random.uniform(ks[0], (N, 3), dtype=jnp.float32)
    pos = jnp.concatenate([jnp.zeros((N, 1), jnp.float32), xyz], axis=1)  # [N,4]: batch idx 0 + xyz
    x = jax.random.normal(ks[1], (N, D_IN), dtype=jnp.float32)
    W1 = jax.random.normal(ks[2], (D_IN, D2), jnp.float32) * (1.0 / np.sqrt(D_IN))
    g1 = jnp.ones((D2,), jnp.float32)
    b1 = jnp.zeros((D2,), jnp.float32)
    kpts = (jax.random.uniform(ks[3], (K_PTS, 3), jnp.float32) * 2.0 - 1.0) * INFLUENCE
    Wkp = jax.random.normal(ks[4], (K_PTS, D2, D2), jnp.float32) * (1.0 / np.sqrt(K_PTS * D2))
    gk = jnp.ones((D2,), jnp.float32)
    bk = jnp.zeros((D2,), jnp.float32)
    W2 = jax.random.normal(ks[5], (D2, D_IN), jnp.float32) * (1.0 / np.sqrt(D2))
    g2 = jnp.ones((D_IN,), jnp.float32)
    b2 = jnp.zeros((D_IN,), jnp.float32)
    return {"pos": pos, "x": x, "W1": W1, "g1": g1, "b1": b1, "kpts": kpts,
            "Wkp": Wkp, "gk": gk, "bk": bk, "W2": W2, "g2": g2, "b2": b2}


def _leaky(v):
    return jnp.where(v >= 0, v, NEG_SLOPE * v)


def _bn(v, g, b):
    m = jnp.mean(v, axis=0)
    var = jnp.var(v, axis=0)
    return (v - m) / jnp.sqrt(var + EPS) * g + b


def _knn_edges(xyz, k):
    # radius/knn neighbor finder (partial_dense), edge-list format (e_ref=support, e_query=query)
    n = xyz.shape[0]
    chunk = 2000
    idx_list = []
    for s in range(0, n, chunk):
        q = xyz[s:s + chunk]
        d2 = jnp.sum((q[:, None, :] - xyz[None, :, :]) ** 2, axis=-1)
        _, idx = jax.lax.top_k(-d2, k)
        idx_list.append(idx)
    e_ref = jnp.concatenate(idx_list, axis=0).reshape(-1)
    e_query = jnp.repeat(jnp.arange(n), k)
    return e_ref, e_query


def _kpconv(support_xyz, query_xyz, e_ref, e_query, feats, kpts, Wkp, n_query):
    rel = support_xyz[e_ref] - query_xyz[e_query]                       # [E,3] gather
    sq = jnp.sum((rel[:, None, :] - kpts[None, :, :]) ** 2, axis=-1)    # [E,K]
    w = jax.nn.relu(1.0 - jnp.sqrt(sq + 1e-12) / INFLUENCE)             # linear kernel influence
    src = feats[e_ref]                                                  # [E,D2] gather
    out = jnp.zeros((n_query, Wkp.shape[2]), feats.dtype)
    for kk in range(K_PTS):
        agg = jax.ops.segment_sum(w[:, kk:kk + 1] * src, e_query, num_segments=n_query)
        out = out + agg @ Wkp[kk]
    return out


def reference(pos, x, W1, g1, b1, kpts, Wkp, gk, bk, W2, g2, b2):
    xyz = pos[:, 1:]
    x_skip = x
    # unary_1 bottleneck: Linear(no bias) -> BN -> LeakyReLU
    h = _leaky(_bn(x @ W1, g1, b1))
    # SimpleBlock: neighbor search + KPConv -> BN -> LeakyReLU (non-strided: query_pos == pos)
    e_ref, e_query = _knn_edges(xyz, KNN)
    h = _kpconv(xyz, xyz, e_ref, e_query, h, kpts, Wkp, xyz.shape[0])
    h = _leaky(_bn(h, gk, bk))
    # unary_2: Linear(no bias) -> BN -> LeakyReLU
    h = _leaky(_bn(h @ W2, g2, b2))
    # shortcut: num_inputs == num_outputs -> Identity, non-strided -> no scatter-max
    return h + x_skip

if __name__ == "__main__":
    import jax
    _d = setup_inputs()
    print(jax.jit(kernel)(*tuple(_d.values())))

</pallas_src>

<mosaic_0001>
#map = affine_map<(d0, d1) -> (0, 0)>
#map1 = affine_map<(d0, d1) -> (0)>
module attributes {stable_mosaic.version = 14 : i64} {
  func.func @sc_gather(%arg0: i32, %arg1: i32, %arg2: memref<10240x128xf32, #tpu.memory_space<hbm>>, %arg3: memref<163840xi32, #tpu.memory_space<hbm>>, %arg4: memref<163840x128xf32, #tpu.memory_space<hbm>>, %arg5: memref<128xi32, #tpu.memory_space<vmem>>, %arg6: memref<128x128xf32, #tpu.memory_space<vmem>>, %arg7: memref<!tpu.dma_semaphore, #tpu.memory_space<semaphore_mem>>) attributes {dimension_semantics = [#tpu.dimension_semantics<core_parallel>, #tpu.dimension_semantics<subcore_parallel>], iteration_bounds = array<i64: 2, 16>, scalar_prefetch = 0 : i64, scratch_operands = 3 : i64, tpu.core_type = #tpu.core_type<sc_vector_subcore>, window_params = [{transform_indices = #map}, {transform_indices = #map1}, {transform_indices = #map}]} {
    %mul3A = arith.constant 2 : i32
    %mul3A_0 = arith.muli %arg1, %mul3A : i32
    %add3A = arith.addi %mul3A_0, %arg0 : i32
    %mul3A_1 = arith.constant 5120 : i32
    %mul3A_2 = arith.muli %add3A, %mul3A_1 : i32
    %scan3A = arith.constant 0 : i32
    %scan3A_3 = arith.constant 0 : i32
    %scan3A_4 = arith.constant 40 : i32
    %scan3A_5 = arith.addi %scan3A_3, %scan3A_4 : i32
    %scan3A_6 = arith.constant 1 : i32
    scf.for %scan3A_8 = %scan3A_3 to %scan3A_5 step %scan3A_6  : i32 {
      %mul3A_9 = arith.constant 128 : i32
      %mul3A_10 = arith.muli %scan3A_8, %mul3A_9 : i32
      %add3A_11 = arith.addi %mul3A_2, %mul3A_10 : i32
      "tpu.region"() ({
        %run_scoped3A = tpu.sem_alloc : memref<!tpu.dma_semaphore, #tpu.memory_space<semaphore_mem>>
        %dma_start3A_16 = tpu.memref_slice %arg3[%add3A_11] : memref<163840xi32, #tpu.memory_space<hbm>> -> memref<128xi32, #tpu.memory_space<hbm>>
        %dma_start3A_17 = tpu.memref_slice %arg3[%add3A_11] : memref<163840xi32, #tpu.memory_space<hbm>> -> memref<128xi32, #tpu.memory_space<hbm>>
        tpu.enqueue_dma source(%dma_start3A_17 : memref<128xi32, #tpu.memory_space<hbm>>) target(%arg5 : memref<128xi32, #tpu.memory_space<vmem>>) target_semaphore(%run_scoped3A : memref<!tpu.dma_semaphore, #tpu.memory_space<semaphore_mem>>)
        %dma_wait3A_18 = tpu.memref_slice %arg3[%add3A_11] : memref<163840xi32, #tpu.memory_space<hbm>> -> memref<128xi32, #tpu.memory_space<hbm>>
        %dma_wait3A_19 = tpu.memref_slice %arg3[%add3A_11] : memref<163840xi32, #tpu.memory_space<hbm>> -> memref<128xi32, #tpu.memory_space<hbm>>
        tpu.wait_dma2 semaphore(%run_scoped3A : memref<!tpu.dma_semaphore, #tpu.memory_space<semaphore_mem>>) src(%dma_wait3A_19 : memref<128xi32, #tpu.memory_space<hbm>>) dst(%arg5 : memref<128xi32, #tpu.memory_space<vmem>>)
        tpu.yield
      }) : () -> ()
      %dma_start3A = arith.constant 0 : i32
      %dma_start3A_12 = arith.constant 0 : i32
      %dma_start3A_13 = tpu.memref_slice %arg2[%dma_start3A, %dma_start3A_12] : memref<10240x128xf32, #tpu.memory_space<hbm>> -> memref<10240x128xf32, #tpu.memory_space<hbm>>
      tpu.enqueue_indirect_dma source(%dma_start3A_13 : memref<10240x128xf32, #tpu.memory_space<hbm>>) target(%arg6 : memref<128x128xf32, #tpu.memory_space<vmem>>) offsets(%arg5 : memref<128xi32, #tpu.memory_space<vmem>>) semaphore(%arg7 : memref<!tpu.dma_semaphore, #tpu.memory_space<semaphore_mem>>)
      %dma_wait3A = arith.constant 0 : i32
      %dma_wait3A_14 = arith.constant 0 : i32
      %dma_wait3A_15 = tpu.memref_slice %arg2[%dma_wait3A, %dma_wait3A_14] : memref<10240x128xf32, #tpu.memory_space<hbm>> -> memref<10240x128xf32, #tpu.memory_space<hbm>>
      tpu.wait_indirect_dma semaphore(%arg7 : memref<!tpu.dma_semaphore, #tpu.memory_space<semaphore_mem>>) src(%dma_wait3A_15 : memref<10240x128xf32, #tpu.memory_space<hbm>>) dst(%arg6 : memref<128x128xf32, #tpu.memory_space<vmem>>)
      "tpu.region"() ({
        %run_scoped3A = tpu.sem_alloc : memref<!tpu.dma_semaphore, #tpu.memory_space<semaphore_mem>>
        %dma_start3A_16 = arith.constant 0 : i32
        %dma_start3A_17 = tpu.memref_slice %arg4[%add3A_11, %dma_start3A_16] : memref<163840x128xf32, #tpu.memory_space<hbm>> -> memref<128x128xf32, #tpu.memory_space<hbm>>
        %dma_start3A_18 = arith.constant 0 : i32
        %dma_start3A_19 = tpu.memref_slice %arg4[%add3A_11, %dma_start3A_18] : memref<163840x128xf32, #tpu.memory_space<hbm>> -> memref<128x128xf32, #tpu.memory_space<hbm>>
        tpu.enqueue_dma source(%arg6 : memref<128x128xf32, #tpu.memory_space<vmem>>) target(%dma_start3A_19 : memref<128x128xf32, #tpu.memory_space<hbm>>) target_semaphore(%run_scoped3A : memref<!tpu.dma_semaphore, #tpu.memory_space<semaphore_mem>>)
        %dma_wait3A_20 = arith.constant 0 : i32
        %dma_wait3A_21 = tpu.memref_slice %arg4[%add3A_11, %dma_wait3A_20] : memref<163840x128xf32, #tpu.memory_space<hbm>> -> memref<128x128xf32, #tpu.memory_space<hbm>>
        %dma_wait3A_22 = arith.constant 0 : i32
        %dma_wait3A_23 = tpu.memref_slice %arg4[%add3A_11, %dma_wait3A_22] : memref<163840x128xf32, #tpu.memory_space<hbm>> -> memref<128x128xf32, #tpu.memory_space<hbm>>
        tpu.wait_dma2 semaphore(%run_scoped3A : memref<!tpu.dma_semaphore, #tpu.memory_space<semaphore_mem>>) src(%arg6 : memref<128x128xf32, #tpu.memory_space<vmem>>) dst(%dma_wait3A_23 : memref<128x128xf32, #tpu.memory_space<hbm>>)
        tpu.yield
      }) : () -> ()
    }
    %scan3A_7 = arith.constant 40 : i32
    return
  }
}

module attributes {stable_mosaic.version = 14 : i64} {
  func.func @_knn_body(%arg0: i32, %arg1: memref<256x3xf32, #tpu.memory_space<vmem>>, %arg2: memref<3x10240xf32, #tpu.memory_space<vmem>>, %arg3: memref<256x16xi32, #tpu.memory_space<vmem>>, %arg4: memref<256x16xf32, #tpu.memory_space<vmem>>) attributes {dimension_semantics = [#tpu.dimension_semantics<arbitrary>], iteration_bounds = array<i64: 40>, scalar_prefetch = 0 : i64, scratch_operands = 0 : i64, tpu.core_type = #tpu.core_type<tc>, window_params = [{transform_indices = @transform_0, window_bounds = array<i64: 256, 3>}, {pipeline_mode = #tpu.pipeline_mode<synchronous>, transform_indices = @transform_1, window_bounds = array<i64: 3, 10240>}, {transform_indices = @transform_2, window_bounds = array<i64: 256, 16>}, {transform_indices = @transform_3, window_bounds = array<i64: 256, 16>}]} {
    %get3A = arith.constant 0 : index
    %get3A_0 = arith.constant 0 : index
    %get3A_1 = vector.load %arg1[%get3A, %get3A_0] : memref<256x3xf32, #tpu.memory_space<vmem>>, vector<256x1xf32>
    %get3A_2 = arith.constant 0 : index
    %get3A_3 = arith.constant 1 : index
    %get3A_4 = vector.load %arg1[%get3A_2, %get3A_3] : memref<256x3xf32, #tpu.memory_space<vmem>>, vector<256x1xf32>
    %get3A_5 = arith.constant 0 : index
    %get3A_6 = arith.constant 2 : index
    %get3A_7 = vector.load %arg1[%get3A_5, %get3A_6] : memref<256x3xf32, #tpu.memory_space<vmem>>, vector<256x1xf32>
    %get3A_8 = arith.constant 0 : index
    %get3A_9 = arith.constant 0 : index
    %get3A_10 = vector.load %arg2[%get3A_8, %get3A_9] : memref<3x10240xf32, #tpu.memory_space<vmem>>, vector<1x10240xf32>
    %sub3A = vector.broadcast %get3A_1 : vector<256x1xf32> to vector<256x10240xf32>
    %sub3A_11 = vector.broadcast %get3A_10 : vector<1x10240xf32> to vector<256x10240xf32>
    %sub3A_12 = arith.subf %sub3A, %sub3A_11 : vector<256x10240xf32>
    %get3A_13 = arith.constant 1 : index
    %get3A_14 = arith.constant 0 : index
    %get3A_15 = vector.load %arg2[%get3A_13, %get3A_14] : memref<3x10240xf32, #tpu.memory_space<vmem>>, vector<1x10240xf32>
    %sub3A_16 = vector.broadcast %get3A_4 : vector<256x1xf32> to vector<256x10240xf32>
    %sub3A_17 = vector.broadcast %get3A_15 : vector<1x10240xf32> to vector<256x10240xf32>
    %sub3A_18 = arith.subf %sub3A_16, %sub3A_17 : vector<256x10240xf32>
    %get3A_19 = arith.constant 2 : index
    %get3A_20 = arith.constant 0 : index
    %get3A_21 = vector.load %arg2[%get3A_19, %get3A_20] : memref<3x10240xf32, #tpu.memory_space<vmem>>, vector<1x10240xf32>
    %sub3A_22 = vector.broadcast %get3A_7 : vector<256x1xf32> to vector<256x10240xf32>
    %sub3A_23 = vector.broadcast %get3A_21 : vector<1x10240xf32> to vector<256x10240xf32>
    %sub3A_24 = arith.subf %sub3A_22, %sub3A_23 : vector<256x10240xf32>
    %mul3A = arith.mulf %sub3A_12, %sub3A_12 : vector<256x10240xf32>
    %mul3A_25 = arith.mulf %sub3A_18, %sub3A_18 : vector<256x10240xf32>
    %add3A = arith.addf %mul3A, %mul3A_25 : vector<256x10240xf32>
    %mul3A_26 = arith.mulf %sub3A_24, %sub3A_24 : vector<256x10240xf32>
    %add3A_27 = arith.addf %add3A, %mul3A_26 : vector<256x10240xf32>
    %iota3A = tpu.iota {dimensions = array<i32: 1>} : vector<256x10240xi32>
    %iota3A_28 = tpu.iota {dimensions = array<i32: 1>} : vector<256x16xi32>
    %broadcast_in_dim3A = arith.constant 0 : i32
    %broadcast_in_dim3A_29 = vector.broadcast %broadcast_in_dim3A : i32 to vector<256x16xi32>
    %broadcast_in_dim3A_30 = arith.constant 0.000000e+00 : f32
    %broadcast_in_dim3A_31 = vector.broadcast %broadcast_in_dim3A_30 : f32 to vector<256x16xf32>
    %scan3A = arith.constant 0 : i32
    %scan3A_32 = arith.constant 16 : i32
    %scan3A_33 = arith.addi %scan3A, %scan3A_32 : i32
    %scan3A_34 = arith.constant 1 : i32
    %scan3A_35:3 = scf.for %scan3A_42 = %scan3A to %scan3A_33 step %scan3A_34 iter_args(%scan3A_43 = %add3A_27, %scan3A_44 = %broadcast_in_dim3A_29, %scan3A_45 = %broadcast_in_dim3A_31) -> (vector<256x10240xf32>, vector<256x16xi32>, vector<256x16xf32>)  : i32 {
      %reduce_min3A = arith.constant dense<0x7F800000> : vector<256xf32>
      %reduce_min3A_46 = vector.multi_reduction <minimumf>, %scan3A_43, %reduce_min3A [1] : vector<256x10240xf32> to vector<256xf32>
      %broadcast_in_dim3A_47 = vector.shape_cast %reduce_min3A_46 : vector<256xf32> to vector<256x1xf32>
      %eq3A = vector.broadcast %broadcast_in_dim3A_47 : vector<256x1xf32> to vector<256x10240xf32>
      %eq3A_48 = arith.cmpf oeq, %scan3A_43, %eq3A : vector<256x10240xf32>
      %jit3A = arith.constant 10240 : i32
      %broadcast_in_dim3A_49 = vector.broadcast %jit3A : i32 to vector<256x10240xi32>
      %select_n3A = arith.select %eq3A_48, %iota3A, %broadcast_in_dim3A_49 : vector<256x10240xi1>, vector<256x10240xi32>
      %reduce_min3A_50 = arith.constant dense<2147483647> : vector<256xi32>
      %reduce_min3A_51 = vector.multi_reduction <minsi>, %select_n3A, %reduce_min3A_50 [1] : vector<256x10240xi32> to vector<256xi32>
      %broadcast_in_dim3A_52 = vector.shape_cast %reduce_min3A_51 : vector<256xi32> to vector<256x1xi32>
      %eq3A_53 = vector.broadcast %broadcast_in_dim3A_52 : vector<256x1xi32> to vector<256x10240xi32>
      %eq3A_54 = arith.cmpi eq, %iota3A, %eq3A_53 : vector<256x10240xi32>
      %jit3A_55 = arith.constant 1.000000e+30 : f32
      %broadcast_in_dim3A_56 = vector.broadcast %jit3A_55 : f32 to vector<256x10240xf32>
      %select_n3A_57 = arith.select %eq3A_54, %broadcast_in_dim3A_56, %scan3A_43 : vector<256x10240xi1>, vector<256x10240xf32>
      %eq3A_58 = vector.broadcast %scan3A_42 : i32 to vector<256x16xi32>
      %eq3A_59 = arith.cmpi eq, %iota3A_28, %eq3A_58 : vector<256x16xi32>
      %broadcast_in_dim3A_60 = vector.shape_cast %broadcast_in_dim3A_52 : vector<256x1xi32> to vector<256x1xi32>
      %broadcast_in_dim3A_61 = vector.broadcast %broadcast_in_dim3A_60 : vector<256x1xi32> to vector<256x16xi32>
      %select_n3A_62 = arith.select %eq3A_59, %broadcast_in_dim3A_61, %scan3A_44 : vector<256x16xi1>, vector<256x16xi32>
      %eq3A_63 = vector.broadcast %scan3A_42 : i32 to vector<256x16xi32>
      %eq3A_64 = arith.cmpi eq, %iota3A_28, %eq3A_63 : vector<256x16xi32>
      %broadcast_in_dim3A_65 = vector.shape_cast %broadcast_in_dim3A_47 : vector<256x1xf32> to vector<256x1xf32>
      %broadcast_in_dim3A_66 = vector.broadcast %broadcast_in_dim3A_65 : vector<256x1xf32> to vector<256x16xf32>
      %select_n3A_67 = arith.select %eq3A_64, %broadcast_in_dim3A_66, %scan3A_45 : vector<256x16xi1>, vector<256x16xf32>
      scf.yield %select_n3A_57, %select_n3A_62, %select_n3A_67 : vector<256x10240xf32>, vector<256x16xi32>, vector<256x16xf32>
    }
    %scan3A_36 = arith.constant 16 : i32
    %swap3A = arith.constant 0 : index
    %swap3A_37 = arith.constant 0 : index
    %swap3A_38 = vector.load %arg3[%swap3A, %swap3A_37] : memref<256x16xi32, #tpu.memory_space<vmem>>, vector<256x16xi32>
    tpu.vector_store %arg3[%swap3A, %swap3A_37], %scan3A_35#1 {strides = array<i32>} : memref<256x16xi32, #tpu.memory_space<vmem>>, vector<256x16xi32>,
    %swap3A_39 = arith.constant 0 : index
    %swap3A_40 = arith.constant 0 : index
    %swap3A_41 = vector.load %arg4[%swap3A_39, %swap3A_40] : memref<256x16xf32, #tpu.memory_space<vmem>>, vector<256x16xf32>
    tpu.vector_store %arg4[%swap3A_39, %swap3A_40], %scan3A_35#2 {strides = array<i32>} : memref<256x16xf32, #tpu.memory_space<vmem>>, vector<256x16xf32>,
    return
  }
  func.func @transform_0(%arg0: i32) -> (i32, i32) {
    %c0_i32 = arith.constant 0 : i32
    %c0_i32_0 = arith.constant 0 : i32
    return %arg0, %c0_i32 : i32, i32
  }
  func.func @transform_1(%arg0: i32) -> (i32, i32) {
    %c0_i32 = arith.constant 0 : i32
    %c0_i32_0 = arith.constant 0 : i32
    %c0_i32_1 = arith.constant 0 : i32
    return %c0_i32, %c0_i32_0 : i32, i32
  }
  func.func @transform_2(%arg0: i32) -> (i32, i32) {
    %c0_i32 = arith.constant 0 : i32
    %c0_i32_0 = arith.constant 0 : i32
    return %arg0, %c0_i32 : i32, i32
  }
  func.func @transform_3(%arg0: i32) -> (i32, i32) {
    %c0_i32 = arith.constant 0 : i32
    %c0_i32_0 = arith.constant 0 : i32
    return %arg0, %c0_i32 : i32, i32
  }
}

module attributes {stable_mosaic.version = 14 : i64} {
  func.func @_unary1_body(%arg0: memref<10000x128xf32, #tpu.memory_space<vmem>>, %arg1: memref<128x32xf32, #tpu.memory_space<vmem>>, %arg2: memref<1x32xf32, #tpu.memory_space<vmem>>, %arg3: memref<1x32xf32, #tpu.memory_space<vmem>>, %arg4: memref<10000x3xf32, #tpu.memory_space<vmem>>, %arg5: memref<3x15xf32, #tpu.memory_space<vmem>>, %arg6: memref<10000x32xf32, #tpu.memory_space<vmem>>, %arg7: memref<10000x15xf32, #tpu.memory_space<vmem>>) attributes {dimension_semantics = [], scalar_prefetch = 0 : i64, scratch_operands = 0 : i64, tpu.core_type = #tpu.core_type<tc>} {
    %get3A = arith.constant 0 : index
    %get3A_0 = arith.constant 0 : index
    %get3A_1 = vector.load %arg0[%get3A, %get3A_0] : memref<10000x128xf32, #tpu.memory_space<vmem>>, vector<10000x128xf32>
    %get3A_2 = arith.constant 0 : index
    %get3A_3 = arith.constant 0 : index
    %get3A_4 = vector.load %arg1[%get3A_2, %get3A_3] : memref<128x32xf32, #tpu.memory_space<vmem>>, vector<128x32xf32>
    %dot_general3A = arith.constant dense<0.000000e+00> : vector<10000x32xf32>
    %dot_general3A_5 = tpu.matmul %get3A_1, %get3A_4, %dot_general3A {dimension_numbers = #tpu.dot_dimension_numbers<[1], [0], [0], [1], [0, 0, 1, 1], [], []>, transpose_lhs_hint = false} : vector<10000x128xf32>, vector<128x32xf32>, vector<10000x32xf32> -> vector<10000x32xf32>
    %get3A_6 = arith.constant 0 : index
    %get3A_7 = arith.constant 0 : index
    %get3A_8 = vector.load %arg2[%get3A_6, %get3A_7] : memref<1x32xf32, #tpu.memory_space<vmem>>, vector<1x32xf32>
    %get3A_9 = arith.constant 0 : index
    %get3A_10 = arith.constant 0 : index
    %get3A_11 = vector.load %arg3[%get3A_9, %get3A_10] : memref<1x32xf32, #tpu.memory_space<vmem>>, vector<1x32xf32>
    %reduce_sum3A = arith.constant dense<0.000000e+00> : vector<32xf32>
    %reduce_sum3A_12 = vector.multi_reduction <add>, %dot_general3A_5, %reduce_sum3A [0] : vector<10000x32xf32> to vector<32xf32>
    %broadcast_in_dim3A = vector.shape_cast %reduce_sum3A_12 : vector<32xf32> to vector<1x32xf32>
    %div3A = arith.constant 1.000000e+04 : f32
    %div3A_13 = vector.broadcast %div3A : f32 to vector<1x32xf32>
    %div3A_14 = arith.divf %broadcast_in_dim3A, %div3A_13 : vector<1x32xf32>
    %sub3A = vector.broadcast %div3A_14 : vector<1x32xf32> to vector<10000x32xf32>
    %sub3A_15 = arith.subf %dot_general3A_5, %sub3A : vector<10000x32xf32>
    %integer_pow3A = arith.mulf %sub3A_15, %sub3A_15 : vector<10000x32xf32>
    %reduce_sum3A_16 = arith.constant dense<0.000000e+00> : vector<32xf32>
    %reduce_sum3A_17 = vector.multi_reduction <add>, %integer_pow3A, %reduce_sum3A_16 [0] : vector<10000x32xf32> to vector<32xf32>
    %broadcast_in_dim3A_18 = vector.shape_cast %reduce_sum3A_17 : vector<32xf32> to vector<1x32xf32>
    %div3A_19 = arith.constant 1.000000e+04 : f32
    %div3A_20 = vector.broadcast %div3A_19 : f32 to vector<1x32xf32>
    %div3A_21 = arith.divf %broadcast_in_dim3A_18, %div3A_20 : vector<1x32xf32>
    %sub3A_22 = vector.broadcast %div3A_14 : vector<1x32xf32> to vector<10000x32xf32>
    %sub3A_23 = arith.subf %dot_general3A_5, %sub3A_22 : vector<10000x32xf32>
    %add3A = arith.constant 9.99999974E-6 : f32
    %add3A_24 = vector.broadcast %add3A : f32 to vector<1x32xf32>
    %add3A_25 = arith.addf %div3A_21, %add3A_24 : vector<1x32xf32>
    %sqrt3A = math.sqrt %add3A_25 : vector<1x32xf32>
    %div3A_26 = vector.broadcast %sqrt3A : vector<1x32xf32> to vector<10000x32xf32>
    %div3A_27 = arith.divf %sub3A_23, %div3A_26 : vector<10000x32xf32>
    %mul3A = vector.broadcast %get3A_8 : vector<1x32xf32> to vector<10000x32xf32>
    %mul3A_28 = arith.mulf %div3A_27, %mul3A : vector<10000x32xf32>
    %add3A_29 = vector.broadcast %get3A_11 : vector<1x32xf32> to vector<10000x32xf32>
    %add3A_30 = arith.addf %mul3A_28, %add3A_29 : vector<10000x32xf32>
    %ge3A = arith.constant 0.000000e+00 : f32
    %ge3A_31 = vector.broadcast %ge3A : f32 to vector<10000x32xf32>
    %ge3A_32 = arith.cmpf oge, %add3A_30, %ge3A_31 : vector<10000x32xf32>
    %mul3A_33 = arith.constant 1.000000e-01 : f32
    %mul3A_34 = vector.broadcast %mul3A_33 : f32 to vector<10000x32xf32>
    %mul3A_35 = arith.mulf %mul3A_34, %add3A_30 : vector<10000x32xf32>
    %select_n3A = arith.select %ge3A_32, %add3A_30, %mul3A_35 : vector<10000x32xi1>, vector<10000x32xf32>
    %swap3A = arith.constant 0 : index
    %swap3A_36 = arith.constant 0 : index
    %swap3A_37 = vector.load %arg6[%swap3A, %swap3A_36] : memref<10000x32xf32, #tpu.memory_space<vmem>>, vector<10000x32xf32>
    tpu.vector_store %arg6[%swap3A, %swap3A_36], %select_n3A {strides = array<i32>} : memref<10000x32xf32, #tpu.memory_space<vmem>>, vector<10000x32xf32>,
    %get3A_38 = arith.constant 0 : index
    %get3A_39 = arith.constant 0 : index
    %get3A_40 = vector.load %arg4[%get3A_38, %get3A_39] : memref<10000x3xf32, #tpu.memory_space<vmem>>, vector<10000x1xf32>
    %get3A_41 = arith.constant 0 : index
    %get3A_42 = arith.constant 0 : index
    %get3A_43 = vector.load %arg5[%get3A_41, %get3A_42] : memref<3x15xf32, #tpu.memory_space<vmem>>, vector<1x15xf32>
    %mul3A_44 = vector.broadcast %get3A_40 : vector<10000x1xf32> to vector<10000x15xf32>
    %mul3A_45 = vector.broadcast %get3A_43 : vector<1x15xf32> to vector<10000x15xf32>
    %mul3A_46 = arith.mulf %mul3A_44, %mul3A_45 : vector<10000x15xf32>
    %get3A_47 = arith.constant 0 : index
    %get3A_48 = arith.constant 1 : index
    %get3A_49 = vector.load %arg4[%get3A_47, %get3A_48] : memref<10000x3xf32, #tpu.memory_space<vmem>>, vector<10000x1xf32>
    %get3A_50 = arith.constant 1 : index
    %get3A_51 = arith.constant 0 : index
    %get3A_52 = vector.load %arg5[%get3A_50, %get3A_51] : memref<3x15xf32, #tpu.memory_space<vmem>>, vector<1x15xf32>
    %mul3A_53 = vector.broadcast %get3A_49 : vector<10000x1xf32> to vector<10000x15xf32>
    %mul3A_54 = vector.broadcast %get3A_52 : vector<1x15xf32> to vector<10000x15xf32>
    %mul3A_55 = arith.mulf %mul3A_53, %mul3A_54 : vector<10000x15xf32>
    %add3A_56 = arith.addf %mul3A_46, %mul3A_55 : vector<10000x15xf32>
    %get3A_57 = arith.constant 0 : index
    %get3A_58 = arith.constant 2 : index
    %get3A_59 = vector.load %arg4[%get3A_57, %get3A_58] : memref<10000x3xf32, #tpu.memory_space<vmem>>, vector<10000x1xf32>
    %get3A_60 = arith.constant 2 : index
    %get3A_61 = arith.constant 0 : index
    %get3A_62 = vector.load %arg5[%get3A_60, %get3A_61] : memref<3x15xf32, #tpu.memory_space<vmem>>, vector<1x15xf32>
    %mul3A_63 = vector.broadcast %get3A_59 : vector<10000x1xf32> to vector<10000x15xf32>
    %mul3A_64 = vector.broadcast %get3A_62 : vector<1x15xf32> to vector<10000x15xf32>
    %mul3A_65 = arith.mulf %mul3A_63, %mul3A_64 : vector<10000x15xf32>
    %add3A_66 = arith.addf %add3A_56, %mul3A_65 : vector<10000x15xf32>
    %swap3A_67 = arith.constant 0 : index
    %swap3A_68 = arith.constant 0 : index
    %swap3A_69 = vector.load %arg7[%swap3A_67, %swap3A_68] : memref<10000x15xf32, #tpu.memory_space<vmem>>, vector<10000x15xf32>
    tpu.vector_store %arg7[%swap3A_67, %swap3A_68], %add3A_66 {strides = array<i32>} : memref<10000x15xf32, #tpu.memory_space<vmem>>, vector<10000x15xf32>,
    return
  }
}

module attributes {stable_mosaic.version = 14 : i64} {
  func.func @_agg_body(%arg0: i32, %arg1: memref<256x3xf32, #tpu.memory_space<vmem>>, %arg2: memref<256x2048xf32, #tpu.memory_space<vmem>>, %arg3: memref<256x16xf32, #tpu.memory_space<vmem>>, %arg4: memref<256x15xf32, #tpu.memory_space<vmem>>, %arg5: memref<1x15xf32, #tpu.memory_space<vmem>>, %arg6: memref<15x32x32xf32, #tpu.memory_space<vmem>>, %arg7: memref<256x32xf32, #tpu.memory_space<vmem>>) attributes {dimension_semantics = [#tpu.dimension_semantics<arbitrary>], iteration_bounds = array<i64: 40>, scalar_prefetch = 0 : i64, scratch_operands = 0 : i64, tpu.core_type = #tpu.core_type<tc>, window_params = [{transform_indices = @transform_0, window_bounds = array<i64: 256, 3>}, {transform_indices = @transform_1, window_bounds = array<i64: 256, 2048>}, {transform_indices = @transform_2, window_bounds = array<i64: 256, 16>}, {transform_indices = @transform_3, window_bounds = array<i64: 256, 15>}, {pipeline_mode = #tpu.pipeline_mode<synchronous>, transform_indices = @transform_4, window_bounds = array<i64: 1, 15>}, {pipeline_mode = #tpu.pipeline_mode<synchronous>, transform_indices = @transform_5, window_bounds = array<i64: 15, 32, 32>}, {transform_indices = @transform_6, window_bounds = array<i64: 256, 32>}]} {
    %get3A = arith.constant 0 : index
    %get3A_0 = arith.constant 0 : index
    %get3A_1 = vector.load %arg4[%get3A, %get3A_0] : memref<256x15xf32, #tpu.memory_space<vmem>>, vector<256x15xf32>
    %mul3A = arith.constant 2.000000e+00 : f32
    %mul3A_2 = vector.broadcast %mul3A : f32 to vector<256x15xf32>
    %mul3A_3 = arith.mulf %mul3A_2, %get3A_1 : vector<256x15xf32>
    %get3A_4 = arith.constant 0 : index
    %get3A_5 = arith.constant 0 : index
    %get3A_6 = vector.load %arg5[%get3A_4, %get3A_5] : memref<1x15xf32, #tpu.memory_space<vmem>>, vector<1x15xf32>
    %add3A = vector.broadcast %get3A_6 : vector<1x15xf32> to vector<256x15xf32>
    %add3A_7 = arith.addf %mul3A_3, %add3A : vector<256x15xf32>
    %broadcast_in_dim3A = arith.constant 0.000000e+00 : f32
    %broadcast_in_dim3A_8 = vector.broadcast %broadcast_in_dim3A : f32 to vector<256x32xf32>
    %broadcast_in_dim3A_9 = arith.constant 0.000000e+00 : f32
    %broadcast_in_dim3A_10 = vector.broadcast %broadcast_in_dim3A_9 : f32 to vector<256x32xf32>
    %broadcast_in_dim3A_11 = arith.constant 0.000000e+00 : f32
    %broadcast_in_dim3A_12 = vector.broadcast %broadcast_in_dim3A_11 : f32 to vector<256x32xf32>
    %broadcast_in_dim3A_13 = arith.constant 0.000000e+00 : f32
    %broadcast_in_dim3A_14 = vector.broadcast %broadcast_in_dim3A_13 : f32 to vector<256x32xf32>
    %broadcast_in_dim3A_15 = arith.constant 0.000000e+00 : f32
    %broadcast_in_dim3A_16 = vector.broadcast %broadcast_in_dim3A_15 : f32 to vector<256x32xf32>
    %broadcast_in_dim3A_17 = arith.constant 0.000000e+00 : f32
    %broadcast_in_dim3A_18 = vector.broadcast %broadcast_in_dim3A_17 : f32 to vector<256x32xf32>
    %broadcast_in_dim3A_19 = arith.constant 0.000000e+00 : f32
    %broadcast_in_dim3A_20 = vector.broadcast %broadcast_in_dim3A_19 : f32 to vector<256x32xf32>
    %broadcast_in_dim3A_21 = arith.constant 0.000000e+00 : f32
    %broadcast_in_dim3A_22 = vector.broadcast %broadcast_in_dim3A_21 : f32 to vector<256x32xf32>
    %broadcast_in_dim3A_23 = arith.constant 0.000000e+00 : f32
    %broadcast_in_dim3A_24 = vector.broadcast %broadcast_in_dim3A_23 : f32 to vector<256x32xf32>
    %broadcast_in_dim3A_25 = arith.constant 0.000000e+00 : f32
    %broadcast_in_dim3A_26 = vector.broadcast %broadcast_in_dim3A_25 : f32 to vector<256x32xf32>
    %broadcast_in_dim3A_27 = arith.constant 0.000000e+00 : f32
    %broadcast_in_dim3A_28 = vector.broadcast %broadcast_in_dim3A_27 : f32 to vector<256x32xf32>
    %broadcast_in_dim3A_29 = arith.constant 0.000000e+00 : f32
    %broadcast_in_dim3A_30 = vector.broadcast %broadcast_in_dim3A_29 : f32 to vector<256x32xf32>
    %broadcast_in_dim3A_31 = arith.constant 0.000000e+00 : f32
    %broadcast_in_dim3A_32 = vector.broadcast %broadcast_in_dim3A_31 : f32 to vector<256x32xf32>
    %broadcast_in_dim3A_33 = arith.constant 0.000000e+00 : f32
    %broadcast_in_dim3A_34 = vector.broadcast %broadcast_in_dim3A_33 : f32 to vector<256x32xf32>
    %broadcast_in_dim3A_35 = arith.constant 0.000000e+00 : f32
    %broadcast_in_dim3A_36 = vector.broadcast %broadcast_in_dim3A_35 : f32 to vector<256x32xf32>
    %get3A_37 = arith.constant 0 : index
    %get3A_38 = arith.constant 0 : index
    %get3A_39 = vector.load %arg2[%get3A_37, %get3A_38] : memref<256x2048xf32, #tpu.memory_space<vmem>>, vector<256x32xf32>
    %get3A_40 = arith.constant 0 : index
    %get3A_41 = arith.constant 32 : index
    %get3A_42 = vector.load %arg2[%get3A_40, %get3A_41] : memref<256x2048xf32, #tpu.memory_space<vmem>>, vector<256x15xf32>
    %get3A_43 = arith.constant 0 : index
    %get3A_44 = arith.constant 0 : index
    %get3A_45 = vector.load %arg3[%get3A_43, %get3A_44] : memref<256x16xf32, #tpu.memory_space<vmem>>, vector<256x1xf32>
    %mul3A_46 = arith.constant 2.000000e+00 : f32
    %mul3A_47 = vector.broadcast %mul3A_46 : f32 to vector<256x15xf32>
    %mul3A_48 = arith.mulf %mul3A_47, %get3A_42 : vector<256x15xf32>
    %sub3A = vector.broadcast %get3A_45 : vector<256x1xf32> to vector<256x15xf32>
    %sub3A_49 = arith.subf %sub3A, %mul3A_48 : vector<256x15xf32>
    %add3A_50 = arith.addf %sub3A_49, %add3A_7 : vector<256x15xf32>
    %max3A = arith.constant 0.000000e+00 : f32
    %max3A_51 = vector.broadcast %max3A : f32 to vector<256x15xf32>
    %max3A_52 = arith.maximumf %add3A_50, %max3A_51 : vector<256x15xf32>
    %add3A_53 = arith.constant 9.99999996E-13 : f32
    %add3A_54 = vector.broadcast %add3A_53 : f32 to vector<256x15xf32>
    %add3A_55 = arith.addf %max3A_52, %add3A_54 : vector<256x15xf32>
    %sqrt3A = math.sqrt %add3A_55 : vector<256x15xf32>
    %div3A = arith.constant 8.000000e-02 : f32
    %div3A_56 = vector.broadcast %div3A : f32 to vector<256x15xf32>
    %div3A_57 = arith.divf %sqrt3A, %div3A_56 : vector<256x15xf32>
    %sub3A_58 = arith.constant 1.000000e+00 : f32
    %sub3A_59 = vector.broadcast %sub3A_58 : f32 to vector<256x15xf32>
    %sub3A_60 = arith.subf %sub3A_59, %div3A_57 : vector<256x15xf32>
    %max3A_61 = arith.constant 0.000000e+00 : f32
    %max3A_62 = vector.broadcast %max3A_61 : f32 to vector<256x15xf32>
    %max3A_63 = arith.maximumf %sub3A_60, %max3A_62 : vector<256x15xf32>
    %slice3A = vector.extract_strided_slice %max3A_63 {offsets = [0, 0], sizes = [256, 1], strides = [1, 1]} : vector<256x15xf32> to vector<256x1xf32>
    %mul3A_64 = vector.broadcast %slice3A : vector<256x1xf32> to vector<256x32xf32>
    %mul3A_65 = arith.mulf %mul3A_64, %get3A_39 : vector<256x32xf32>
    %add3A_66 = arith.addf %broadcast_in_dim3A_8, %mul3A_65 : vector<256x32xf32>
    %slice3A_67 = vector.extract_strided_slice %max3A_63 {offsets = [0, 1], sizes = [256, 1], strides = [1, 1]} : vector<256x15xf32> to vector<256x1xf32>
    %mul3A_68 = vector.broadcast %slice3A_67 : vector<256x1xf32> to vector<256x32xf32>
    %mul3A_69 = arith.mulf %mul3A_68, %get3A_39 : vector<256x32xf32>
    %add3A_70 = arith.addf %broadcast_in_dim3A_10, %mul3A_69 : vector<256x32xf32>
    %slice3A_71 = vector.extract_strided_slice %max3A_63 {offsets = [0, 2], sizes = [256, 1], strides = [1, 1]} : vector<256x15xf32> to vector<256x1xf32>
    %mul3A_72 = vector.broadcast %slice3A_71 : vector<256x1xf32> to vector<256x32xf32>
    %mul3A_73 = arith.mulf %mul3A_72, %get3A_39 : vector<256x32xf32>
    %add3A_74 = arith.addf %broadcast_in_dim3A_12, %mul3A_73 : vector<256x32xf32>
    %slice3A_75 = vector.extract_strided_slice %max3A_63 {offsets = [0, 3], sizes = [256, 1], strides = [1, 1]} : vector<256x15xf32> to vector<256x1xf32>
    %mul3A_76 = vector.broadcast %slice3A_75 : vector<256x1xf32> to vector<256x32xf32>
    %mul3A_77 = arith.mulf %mul3A_76, %get3A_39 : vector<256x32xf32>
    %add3A_78 = arith.addf %broadcast_in_dim3A_14, %mul3A_77 : vector<256x32xf32>
    %slice3A_79 = vector.extract_strided_slice %max3A_63 {offsets = [0, 4], sizes = [256, 1], strides = [1, 1]} : vector<256x15xf32> to vector<256x1xf32>
    %mul3A_80 = vector.broadcast %slice3A_79 : vector<256x1xf32> to vector<256x32xf32>
    %mul3A_81 = arith.mulf %mul3A_80, %get3A_39 : vector<256x32xf32>
    %add3A_82 = arith.addf %broadcast_in_dim3A_16, %mul3A_81 : vector<256x32xf32>
    %slice3A_83 = vector.extract_strided_slice %max3A_63 {offsets = [0, 5], sizes = [256, 1], strides = [1, 1]} : vector<256x15xf32> to vector<256x1xf32>
    %mul3A_84 = vector.broadcast %slice3A_83 : vector<256x1xf32> to vector<256x32xf32>
    %mul3A_85 = arith.mulf %mul3A_84, %get3A_39 : vector<256x32xf32>
    %add3A_86 = arith.addf %broadcast_in_dim3A_18, %mul3A_85 : vector<256x32xf32>
    %slice3A_87 = vector.extract_strided_slice %max3A_63 {offsets = [0, 6], sizes = [256, 1], strides = [1, 1]} : vector<256x15xf32> to vector<256x1xf32>
    %mul3A_88 = vector.broadcast %slice3A_87 : vector<256x1xf32> to vector<256x32xf32>
    %mul3A_89 = arith.mulf %mul3A_88, %get3A_39 : vector<256x32xf32>
    %add3A_90 = arith.addf %broadcast_in_dim3A_20, %mul3A_89 : vector<256x32xf32>
    %slice3A_91 = vector.extract_strided_slice %max3A_63 {offsets = [0, 7], sizes = [256, 1], strides = [1, 1]} : vector<256x15xf32> to vector<256x1xf32>
    %mul3A_92 = vector.broadcast %slice3A_91 : vector<256x1xf32> to vector<256x32xf32>
    %mul3A_93 = arith.mulf %mul3A_92, %get3A_39 : vector<256x32xf32>
    %add3A_94 = arith.addf %broadcast_in_dim3A_22, %mul3A_93 : vector<256x32xf32>
    %slice3A_95 = vector.extract_strided_slice %max3A_63 {offsets = [0, 8], sizes = [256, 1], strides = [1, 1]} : vector<256x15xf32> to vector<256x1xf32>
    %mul3A_96 = vector.broadcast %slice3A_95 : vector<256x1xf32> to vector<256x32xf32>
    %mul3A_97 = arith.mulf %mul3A_96, %get3A_39 : vector<256x32xf32>
    %add3A_98 = arith.addf %broadcast_in_dim3A_24, %mul3A_97 : vector<256x32xf32>
    %slice3A_99 = vector.extract_strided_slice %max3A_63 {offsets = [0, 9], sizes = [256, 1], strides = [1, 1]} : vector<256x15xf32> to vector<256x1xf32>
    %mul3A_100 = vector.broadcast %slice3A_99 : vector<256x1xf32> to vector<256x32xf32>
    %mul3A_101 = arith.mulf %mul3A_100, %get3A_39 : vector<256x32xf32>
    %add3A_102 = arith.addf %broadcast_in_dim3A_26, %mul3A_101 : vector<256x32xf32>
    %slice3A_103 = vector.extract_strided_slice %max3A_63 {offsets = [0, 10], sizes = [256, 1], strides = [1, 1]} : vector<256x15xf32> to vector<256x1xf32>
    %mul3A_104 = vector.broadcast %slice3A_103 : vector<256x1xf32> to vector<256x32xf32>
    %mul3A_105 = arith.mulf %mul3A_104, %get3A_39 : vector<256x32xf32>
    %add3A_106 = arith.addf %broadcast_in_dim3A_28, %mul3A_105 : vector<256x32xf32>
    %slice3A_107 = vector.extract_strided_slice %max3A_63 {offsets = [0, 11], sizes = [256, 1], strides = [1, 1]} : vector<256x15xf32> to vector<256x1xf32>
    %mul3A_108 = vector.broadcast %slice3A_107 : vector<256x1xf32> to vector<256x32xf32>
    %mul3A_109 = arith.mulf %mul3A_108, %get3A_39 : vector<256x32xf32>
    %add3A_110 = arith.addf %broadcast_in_dim3A_30, %mul3A_109 : vector<256x32xf32>
    %slice3A_111 = vector.extract_strided_slice %max3A_63 {offsets = [0, 12], sizes = [256, 1], strides = [1, 1]} : vector<256x15xf32> to vector<256x1xf32>
    %mul3A_112 = vector.broadcast %slice3A_111 : vector<256x1xf32> to vector<256x32xf32>
    %mul3A_113 = arith.mulf %mul3A_112, %get3A_39 : vector<256x32xf32>
    %add3A_114 = arith.addf %broadcast_in_dim3A_32, %mul3A_113 : vector<256x32xf32>
    %slice3A_115 = vector.extract_strided_slice %max3A_63 {offsets = [0, 13], sizes = [256, 1], strides = [1, 1]} : vector<256x15xf32> to vector<256x1xf32>
    %mul3A_116 = vector.broadcast %slice3A_115 : vector<256x1xf32> to vector<256x32xf32>
    %mul3A_117 = arith.mulf %mul3A_116, %get3A_39 : vector<256x32xf32>
    %add3A_118 = arith.addf %broadcast_in_dim3A_34, %mul3A_117 : vector<256x32xf32>
    %slice3A_119 = vector.extract_strided_slice %max3A_63 {offsets = [0, 14], sizes = [256, 1], strides = [1, 1]} : vector<256x15xf32> to vector<256x1xf32>
    %mul3A_120 = vector.broadcast %slice3A_119 : vector<256x1xf32> to vector<256x32xf32>
    %mul3A_121 = arith.mulf %mul3A_120, %get3A_39 : vector<256x32xf32>
    %add3A_122 = arith.addf %broadcast_in_dim3A_36, %mul3A_121 : vector<256x32xf32>
    %get3A_123 = arith.constant 0 : index
    %get3A_124 = arith.constant 128 : index
    %get3A_125 = vector.load %arg2[%get3A_123, %get3A_124] : memref<256x2048xf32, #tpu.memory_space<vmem>>, vector<256x32xf32>
    %get3A_126 = arith.constant 0 : index
    %get3A_127 = arith.constant 160 : index
    %get3A_128 = vector.load %arg2[%get3A_126, %get3A_127] : memref<256x2048xf32, #tpu.memory_space<vmem>>, vector<256x15xf32>
    %get3A_129 = arith.constant 0 : index
    %get3A_130 = arith.constant 1 : index
    %get3A_131 = vector.load %arg3[%get3A_129, %get3A_130] : memref<256x16xf32, #tpu.memory_space<vmem>>, vector<256x1xf32>
    %mul3A_132 = arith.constant 2.000000e+00 : f32
    %mul3A_133 = vector.broadcast %mul3A_132 : f32 to vector<256x15xf32>
    %mul3A_134 = arith.mulf %mul3A_133, %get3A_128 : vector<256x15xf32>
    %sub3A_135 = vector.broadcast %get3A_131 : vector<256x1xf32> to vector<256x15xf32>
    %sub3A_136 = arith.subf %sub3A_135, %mul3A_134 : vector<256x15xf32>
    %add3A_137 = arith.addf %sub3A_136, %add3A_7 : vector<256x15xf32>
    %max3A_138 = arith.constant 0.000000e+00 : f32
    %max3A_139 = vector.broadcast %max3A_138 : f32 to vector<256x15xf32>
    %max3A_140 = arith.maximumf %add3A_137, %max3A_139 : vector<256x15xf32>
    %add3A_141 = arith.constant 9.99999996E-13 : f32
    %add3A_142 = vector.broadcast %add3A_141 : f32 to vector<256x15xf32>
    %add3A_143 = arith.addf %max3A_140, %add3A_142 : vector<256x15xf32>
    %sqrt3A_144 = math.sqrt %add3A_143 : vector<256x15xf32>
    %div3A_145 = arith.constant 8.000000e-02 : f32
    %div3A_146 = vector.broadcast %div3A_145 : f32 to vector<256x15xf32>
    %div3A_147 = arith.divf %sqrt3A_144, %div3A_146 : vector<256x15xf32>
    %sub3A_148 = arith.constant 1.000000e+00 : f32
    %sub3A_149 = vector.broadcast %sub3A_148 : f32 to vector<256x15xf32>
    %sub3A_150 = arith.subf %sub3A_149, %div3A_147 : vector<256x15xf32>
    %max3A_151 = arith.constant 0.000000e+00 : f32
    %max3A_152 = vector.broadcast %max3A_151 : f32 to vector<256x15xf32>
    %max3A_153 = arith.maximumf %sub3A_150, %max3A_152 : vector<256x15xf32>
    %slice3A_154 = vector.extract_strided_slice %max3A_153 {offsets = [0, 0], sizes = [256, 1], strides = [1, 1]} : vector<256x15xf32> to vector<256x1xf32>
    %mul3A_155 = vector.broadcast %slice3A_154 : vector<256x1xf32> to vector<256x32xf32>
    %mul3A_156 = arith.mulf %mul3A_155, %get3A_125 : vector<256x32xf32>
    %add3A_157 = arith.addf %add3A_66, %mul3A_156 : vector<256x32xf32>
    %slice3A_158 = vector.extract_strided_slice %max3A_153 {offsets = [0, 1], sizes = [256, 1], strides = [1, 1]} : vector<256x15xf32> to vector<256x1xf32>
    %mul3A_159 = vector.broadcast %slice3A_158 : vector<256x1xf32> to vector<256x32xf32>
    %mul3A_160 = arith.mulf %mul3A_159, %get3A_125 : vector<256x32xf32>
    %add3A_161 = arith.addf %add3A_70, %mul3A_160 : vector<256x32xf32>
    %slice3A_162 = vector.extract_strided_slice %max3A_153 {offsets = [0, 2], sizes = [256, 1], strides = [1, 1]} : vector<256x15xf32> to vector<256x1xf32>
    %mul3A_163 = vector.broadcast %slice3A_162 : vector<256x1xf32> to vector<256x32xf32>
    %mul3A_164 = arith.mulf %mul3A_163, %get3A_125 : vector<256x32xf32>
    %add3A_165 = arith.addf %add3A_74, %mul3A_164 : vector<256x32xf32>
    %slice3A_166 = vector.extract_strided_slice %max3A_153 {offsets = [0, 3], sizes = [256, 1], strides = [1, 1]} : vector<256x15xf32> to vector<256x1xf32>
    %mul3A_167 = vector.broadcast %slice3A_166 : vector<256x1xf32> to vector<256x32xf32>
    %mul3A_168 = arith.mulf %mul3A_167, %get3A_125 : vector<256x32xf32>
    %add3A_169 = arith.addf %add3A_78, %mul3A_168 : vector<256x32xf32>
    %slice3A_170 = vector.extract_strided_slice %max3A_153 {offsets = [0, 4], sizes = [256, 1], strides = [1, 1]} : vector<256x15xf32> to vector<256x1xf32>
    %mul3A_171 = vector.broadcast %slice3A_170 : vector<256x1xf32> to vector<256x32xf32>
    %mul3A_172 = arith.mulf %mul3A_171, %get3A_125 : vector<256x32xf32>
    %add3A_173 = arith.addf %add3A_82, %mul3A_172 : vector<256x32xf32>
    %slice3A_174 = vector.extract_strided_slice %max3A_153 {offsets = [0, 5], sizes = [256, 1], strides = [1, 1]} : vector<256x15xf32> to vector<256x1xf32>
    %mul3A_175 = vector.broadcast %slice3A_174 : vector<256x1xf32> to vector<256x32xf32>
    %mul3A_176 = arith.mulf %mul3A_175, %get3A_125 : vector<256x32xf32>
    %add3A_177 = arith.addf %add3A_86, %mul3A_176 : vector<256x32xf32>
    %slice3A_178 = vector.extract_strided_slice %max3A_153 {offsets = [0, 6], sizes = [256, 1], strides = [1, 1]} : vector<256x15xf32> to vector<256x1xf32>
    %mul3A_179 = vector.broadcast %slice3A_178 : vector<256x1xf32> to vector<256x32xf32>
    %mul3A_180 = arith.mulf %mul3A_179, %get3A_125 : vector<256x32xf32>
    %add3A_181 = arith.addf %add3A_90, %mul3A_180 : vector<256x32xf32>
    %slice3A_182 = vector.extract_strided_slice %max3A_153 {offsets = [0, 7], sizes = [256, 1], strides = [1, 1]} : vector<256x15xf32> to vector<256x1xf32>
    %mul3A_183 = vector.broadcast %slice3A_182 : vector<256x1xf32> to vector<256x32xf32>
    %mul3A_184 = arith.mulf %mul3A_183, %get3A_125 : vector<256x32xf32>
    %add3A_185 = arith.addf %add3A_94, %mul3A_184 : vector<256x32xf32>
    %slice3A_186 = vector.extract_strided_slice %max3A_153 {offsets = [0, 8], sizes = [256, 1], strides = [1, 1]} : vector<256x15xf32> to vector<256x1xf32>
    %mul3A_187 = vector.broadcast %slice3A_186 : vector<256x1xf32> to vector<256x32xf32>
    %mul3A_188 = arith.mulf %mul3A_187, %get3A_125 : vector<256x32xf32>
    %add3A_189 = arith.addf %add3A_98, %mul3A_188 : vector<256x32xf32>
    %slice3A_190 = vector.extract_strided_slice %max3A_153 {offsets = [0, 9], sizes = [256, 1], strides = [1, 1]} : vector<256x15xf32> to vector<256x1xf32>
    %mul3A_191 = vector.broadcast %slice3A_190 : vector<256x1xf32> to vector<256x32xf32>
    %mul3A_192 = arith.mulf %mul3A_191, %get3A_125 : vector<256x32xf32>
    %add3A_193 = arith.addf %add3A_102, %mul3A_192 : vector<256x32xf32>
    %slice3A_194 = vector.extract_strided_slice %max3A_153 {offsets = [0, 10], sizes = [256, 1], strides = [1, 1]} : vector<256x15xf32> to vector<256x1xf32>
    %mul3A_195 = vector.broadcast %slice3A_194 : vector<256x1xf32> to vector<256x32xf32>
    %mul3A_196 = arith.mulf %mul3A_195, %get3A_125 : vector<256x32xf32>
    %add3A_197 = arith.addf %add3A_106, %mul3A_196 : vector<256x32xf32>
    %slice3A_198 = vector.extract_strided_slice %max3A_153 {offsets = [0, 11], sizes = [256, 1], strides = [1, 1]} : vector<256x15xf32> to vector<256x1xf32>
    %mul3A_199 = vector.broadcast %slice3A_198 : vector<256x1xf32> to vector<256x32xf32>
    %mul3A_200 = arith.mulf %mul3A_199, %get3A_125 : vector<256x32xf32>
    %add3A_201 = arith.addf %add3A_110, %mul3A_200 : vector<256x32xf32>
    %slice3A_202 = vector.extract_strided_slice %max3A_153 {offsets = [0, 12], sizes = [256, 1], strides = [1, 1]} : vector<256x15xf32> to vector<256x1xf32>
    %mul3A_203 = vector.broadcast %slice3A_202 : vector<256x1xf32> to vector<256x32xf32>
    %mul3A_204 = arith.mulf %mul3A_203, %get3A_125 : vector<256x32xf32>
    %add3A_205 = arith.addf %add3A_114, %mul3A_204 : vector<256x32xf32>
    %slice3A_206 = vector.extract_strided_slice %max3A_153 {offsets = [0, 13], sizes = [256, 1], strides = [1, 1]} : vector<256x15xf32> to vector<256x1xf32>
    %mul3A_207 = vector.broadcast %slice3A_206 : vector<256x1xf32> to vector<256x32xf32>
    %mul3A_208 = arith.mulf %mul3A_207, %get3A_125 : vector<256x32xf32>
    %add3A_209 = arith.addf %add3A_118, %mul3A_208 : vector<256x32xf32>
    %slice3A_210 = vector.extract_strided_slice %max3A_153 {offsets = [0, 14], sizes = [256, 1], strides = [1, 1]} : vector<256x15xf32> to vector<256x1xf32>
    %mul3A_211 = vector.broadcast %slice3A_210 : vector<256x1xf32> to vector<256x32xf32>
    %mul3A_212 = arith.mulf %mul3A_211, %get3A_125 : vector<256x32xf32>
    %add3A_213 = arith.addf %add3A_122, %mul3A_212 : vector<256x32xf32>
    %get3A_214 = arith.constant 0 : index
    %get3A_215 = arith.constant 256 : index
    %get3A_216 = vector.load %arg2[%get3A_214, %get3A_215] : memref<256x2048xf32, #tpu.memory_space<vmem>>, vector<256x32xf32>
    %get3A_217 = arith.constant 0 : index
    %get3A_218 = arith.constant 288 : index
    %get3A_219 = vector.load %arg2[%get3A_217, %get3A_218] : memref<256x2048xf32, #tpu.memory_space<vmem>>, vector<256x15xf32>
    %get3A_220 = arith.constant 0 : index
    %get3A_221 = arith.constant 2 : index
    %get3A_222 = vector.load %arg3[%get3A_220, %get3A_221] : memref<256x16xf32, #tpu.memory_space<vmem>>, vector<256x1xf32>
    %mul3A_223 = arith.constant 2.000000e+00 : f32
    %mul3A_224 = vector.broadcast %mul3A_223 : f32 to vector<256x15xf32>
    %mul3A_225 = arith.mulf %mul3A_224, %get3A_219 : vector<256x15xf32>
    %sub3A_226 = vector.broadcast %get3A_222 : vector<256x1xf32> to vector<256x15xf32>
    %sub3A_227 = arith.subf %sub3A_226, %mul3A_225 : vector<256x15xf32>
    %add3A_228 = arith.addf %sub3A_227, %add3A_7 : vector<256x15xf32>
    %max3A_229 = arith.constant 0.000000e+00 : f32
    %max3A_230 = vector.broadcast %max3A_229 : f32 to vector<256x15xf32>
    %max3A_231 = arith.maximumf %add3A_228, %max3A_230 : vector<256x15xf32>
    %add3A_232 = arith.constant 9.99999996E-13 : f32
    %add3A_233 = vector.broadcast %add3A_232 : f32 to vector<256x15xf32>
    %add3A_234 = arith.addf %max3A_231, %add3A_233 : vector<256x15xf32>
    %sqrt3A_235 = math.sqrt %add3A_234 : vector<256x15xf32>
    %div3A_236 = arith.constant 8.000000e-02 : f32
    %div3A_237 = vector.broadcast %div3A_236 : f32 to vector<256x15xf32>
    %div3A_238 = arith.divf %sqrt3A_235, %div3A_237 : vector<256x15xf32>
    %sub3A_239 = arith.constant 1.000000e+00 : f32
    %sub3A_240 = vector.broadcast %sub3A_239 : f32 to vector<256x15xf32>
    %sub3A_241 = arith.subf %sub3A_240, %div3A_238 : vector<256x15xf32>
    %max3A_242 = arith.constant 0.000000e+00 : f32
    %max3A_243 = vector.broadcast %max3A_242 : f32 to vector<256x15xf32>
    %max3A_244 = arith.maximumf %sub3A_241, %max3A_243 : vector<256x15xf32>
    %slice3A_245 = vector.extract_strided_slice %max3A_244 {offsets = [0, 0], sizes = [256, 1], strides = [1, 1]} : vector<256x15xf32> to vector<256x1xf32>
    %mul3A_246 = vector.broadcast %slice3A_245 : vector<256x1xf32> to vector<256x32xf32>
    %mul3A_247 = arith.mulf %mul3A_246, %get3A_216 : vector<256x32xf32>
    %add3A_248 = arith.addf %add3A_157, %mul3A_247 : vector<256x32xf32>
    %slice3A_249 = vector.extract_strided_slice %max3A_244 {offsets = [0, 1], sizes = [256, 1], strides = [1, 1]} : vector<256x15xf32> to vector<256x1xf32>
    %mul3A_250 = vector.broadcast %slice3A_249 : vector<256x1xf32> to vector<256x32xf32>
    %mul3A_251 = arith.mulf %mul3A_250, %get3A_216 : vector<256x32xf32>
    %add3A_252 = arith.addf %add3A_161, %mul3A_251 : vector<256x32xf32>
    %slice3A_253 = vector.extract_strided_slice %max3A_244 {offsets = [0, 2], sizes = [256, 1], strides = [1, 1]} : vector<256x15xf32> to vector<256x1xf32>
    %mul3A_254 = vector.broadcast %slice3A_253 : vector<256x1xf32> to vector<256x32xf32>
    %mul3A_255 = arith.mulf %mul3A_254, %get3A_216 : vector<256x32xf32>
    %add3A_256 = arith.addf %add3A_165, %mul3A_255 : vector<256x32xf32>
    %slice3A_257 = vector.extract_strided_slice %max3A_244 {offsets = [0, 3], sizes = [256, 1], strides = [1, 1]} : vector<256x15xf32> to vector<256x1xf32>
    %mul3A_258 = vector.broadcast %slice3A_257 : vector<256x1xf32> to vector<256x32xf32>
    %mul3A_259 = arith.mulf %mul3A_258, %get3A_216 : vector<256x32xf32>
    %add3A_260 = arith.addf %add3A_169, %mul3A_259 : vector<256x32xf32>
    %slice3A_261 = vector.extract_strided_slice %max3A_244 {offsets = [0, 4], sizes = [256, 1], strides = [1, 1]} : vector<256x15xf32> to vector<256x1xf32>
    %mul3A_262 = vector.broadcast %slice3A_261 : vector<256x1xf32> to vector<256x32xf32>
    %mul3A_263 = arith.mulf %mul3A_262, %get3A_216 : vector<256x32xf32>
    %add3A_264 = arith.addf %add3A_173, %mul3A_263 : vector<256x32xf32>
    %slice3A_265 = vector.extract_strided_slice %max3A_244 {offsets = [0, 5], sizes = [256, 1], strides = [1, 1]} : vector<256x15xf32> to vector<256x1xf32>
    %mul3A_266 = vector.broadcast %slice3A_265 : vector<256x1xf32> to vector<256x32xf32>
    %mul3A_267 = arith.mulf %mul3A_266, %get3A_216 : vector<256x32xf32>
    %add3A_268 = arith.addf %add3A_177, %mul3A_267 : vector<256x32xf32>
    %slice3A_269 = vector.extract_strided_slice %max3A_244 {offsets = [0, 6], sizes = [256, 1], strides = [1, 1]} : vector<256x15xf32> to vector<256x1xf32>
    %mul3A_270 = vector.broadcast %slice3A_269 : vector<256x1xf32> to vector<256x32xf32>
    %mul3A_271 = arith.mulf %mul3A_270, %get3A_216 : vector<256x32xf32>
    %add3A_272 = arith.addf %add3A_181, %mul3A_271 : vector<256x32xf32>
    %slice3A_273 = vector.extract_strided_slice %max3A_244 {offsets = [0, 7], sizes = [256, 1], strides = [1, 1]} : vector<256x15xf32> to vector<256x1xf32>
    %mul3A_274 = vector.broadcast %slice3A_273 : vector<256x1xf32> to vector<256x32xf32>
    %mul3A_275 = arith.mulf %mul3A_274, %get3A_216 : vector<256x32xf32>
    %add3A_276 = arith.addf %add3A_185, %mul3A_275 : vector<256x32xf32>
    %slice3A_277 = vector.extract_strided_slice %max3A_244 {offsets = [0, 8], sizes = [256, 1], strides = [1, 1]} : vector<256x15xf32> to vector<256x1xf32>
    %mul3A_278 = vector.broadcast %slice3A_277 : vector<256x1xf32> to vector<256x32xf32>
    %mul3A_279 = arith.mulf %mul3A_278, %get3A_216 : vector<256x32xf32>
    %add3A_280 = arith.addf %add3A_189, %mul3A_279 : vector<256x32xf32>
    %slice3A_281 = vector.extract_strided_slice %max3A_244 {offsets = [0, 9], sizes = [256, 1], strides = [1, 1]} : vector<256x15xf32> to vector<256x1xf32>
    %mul3A_282 = vector.broadcast %slice3A_281 : vector<256x1xf32> to vector<256x32xf32>
    %mul3A_283 = arith.mulf %mul3A_282, %get3A_216 : vector<256x32xf32>
    %add3A_284 = arith.addf %add3A_193, %mul3A_283 : vector<256x32xf32>
    %slice3A_285 = vector.extract_strided_slice %max3A_244 {offsets = [0, 10], sizes = [256, 1], strides = [1, 1]} : vector<256x15xf32> to vector<256x1xf32>
    %mul3A_286 = vector.broadcast %slice3A_285 : vector<256x1xf32> to vector<256x32xf32>
    %mul3A_287 = arith.mulf %mul3A_286, %get3A_216 : vector<256x32xf32>
    %add3A_288 = arith.addf %add3A_197, %mul3A_287 : vector<256x32xf32>
    %slice3A_289 = vector.extract_strided_slice %max3A_244 {offsets = [0, 11], sizes = [256, 1], strides = [1, 1]} : vector<256x15xf32> to vector<256x1xf32>
    %mul3A_290 = vector.broadcast %slice3A_289 : vector<256x1xf32> to vector<256x32xf32>
    %mul3A_291 = arith.mulf %mul3A_290, %get3A_216 : vector<256x32xf32>
    %add3A_292 = arith.addf %add3A_201, %mul3A_291 : vector<256x32xf32>
    %slice3A_293 = vector.extract_strided_slice %max3A_244 {offsets = [0, 12], sizes = [256, 1], strides = [1, 1]} : vector<256x15xf32> to vector<256x1xf32>
    %mul3A_294 = vector.broadcast %slice3A_293 : vector<256x1xf32> to vector<256x32xf32>
    %mul3A_295 = arith.mulf %mul3A_294, %get3A_216 : vector<256x32xf32>
    %add3A_296 = arith.addf %add3A_205, %mul3A_295 : vector<256x32xf32>
    %slice3A_297 = vector.extract_strided_slice %max3A_244 {offsets = [0, 13], sizes = [256, 1], strides = [1, 1]} : vector<256x15xf32> to vector<256x1xf32>
    %mul3A_298 = vector.broadcast %slice3A_297 : vector<256x1xf32> to vector<256x32xf32>
    %mul3A_299 = arith.mulf %mul3A_298, %get3A_216 : vector<256x32xf32>
    %add3A_300 = arith.addf %add3A_209, %mul3A_299 : vector<256x32xf32>
    %slice3A_301 = vector.extract_strided_slice %max3A_244 {offsets = [0, 14], sizes = [256, 1], strides = [1, 1]} : vector<256x15xf32> to vector<256x1xf32>
    %mul3A_302 = vector.broadcast %slice3A_301 : vector<256x1xf32> to vector<256x32xf32>
    %mul3A_303 = arith.mulf %mul3A_302, %get3A_216 : vector<256x32xf32>
    %add3A_304 = arith.addf %add3A_213, %mul3A_303 : vector<256x32xf32>
    %get3A_305 = arith.constant 0 : index
    %get3A_306 = arith.constant 384 : index
    %get3A_307 = vector.load %arg2[%get3A_305, %get3A_306] : memref<256x2048xf32, #tpu.memory_space<vmem>>, vector<256x32xf32>
    %get3A_308 = arith.constant 0 : index
    %get3A_309 = arith.constant 416 : index
    %get3A_310 = vector.load %arg2[%get3A_308, %get3A_309] : memref<256x2048xf32, #tpu.memory_space<vmem>>, vector<256x15xf32>
    %get3A_311 = arith.constant 0 : index
    %get3A_312 = arith.constant 3 : index
    %get3A_313 = vector.load %arg3[%get3A_311, %get3A_312] : memref<256x16xf32, #tpu.memory_space<vmem>>, vector<256x1xf32>
    %mul3A_314 = arith.constant 2.000000e+00 : f32
    %mul3A_315 = vector.broadcast %mul3A_314 : f32 to vector<256x15xf32>
    %mul3A_316 = arith.mulf %mul3A_315, %get3A_310 : vector<256x15xf32>
    %sub3A_317 = vector.broadcast %get3A_313 : vector<256x1xf32> to vector<256x15xf32>
    %sub3A_318 = arith.subf %sub3A_317, %mul3A_316 : vector<256x15xf32>
    %add3A_319 = arith.addf %sub3A_318, %add3A_7 : vector<256x15xf32>
    %max3A_320 = arith.constant 0.000000e+00 : f32
    %max3A_321 = vector.broadcast %max3A_320 : f32 to vector<256x15xf32>
    %max3A_322 = arith.maximumf %add3A_319, %max3A_321 : vector<256x15xf32>
    %add3A_323 = arith.constant 9.99999996E-13 : f32
    %add3A_324 = vector.broadcast %add3A_323 : f32 to vector<256x15xf32>
    %add3A_325 = arith.addf %max3A_322, %add3A_324 : vector<256x15xf32>
    %sqrt3A_326 = math.sqrt %add3A_325 : vector<256x15xf32>
    %div3A_327 = arith.constant 8.000000e-02 : f32
    %div3A_328 = vector.broadcast %div3A_327 : f32 to vector<256x15xf32>
    %div3A_329 = arith.divf %sqrt3A_326, %div3A_328 : vector<256x15xf32>
    %sub3A_330 = arith.constant 1.000000e+00 : f32
    %sub3A_331 = vector.broadcast %sub3A_330 : f32 to vector<256x15xf32>
    %sub3A_332 = arith.subf %sub3A_331, %div3A_329 : vector<256x15xf32>
    %max3A_333 = arith.constant 0.000000e+00 : f32
    %max3A_334 = vector.broadcast %max3A_333 : f32 to vector<256x15xf32>
    %max3A_335 = arith.maximumf %sub3A_332, %max3A_334 : vector<256x15xf32>
    %slice3A_336 = vector.extract_strided_slice %max3A_335 {offsets = [0, 0], sizes = [256, 1], strides = [1, 1]} : vector<256x15xf32> to vector<256x1xf32>
    %mul3A_337 = vector.broadcast %slice3A_336 : vector<256x1xf32> to vector<256x32xf32>
    %mul3A_338 = arith.mulf %mul3A_337, %get3A_307 : vector<256x32xf32>
    %add3A_339 = arith.addf %add3A_248, %mul3A_338 : vector<256x32xf32>
    %slice3A_340 = vector.extract_strided_slice %max3A_335 {offsets = [0, 1], sizes = [256, 1], strides = [1, 1]} : vector<256x15xf32> to vector<256x1xf32>
    %mul3A_341 = vector.broadcast %slice3A_340 : vector<256x1xf32> to vector<256x32xf32>
    %mul3A_342 = arith.mulf %mul3A_341, %get3A_307 : vector<256x32xf32>
    %add3A_343 = arith.addf %add3A_252, %mul3A_342 : vector<256x32xf32>
    %slice3A_344 = vector.extract_strided_slice %max3A_335 {offsets = [0, 2], sizes = [256, 1], strides = [1, 1]} : vector<256x15xf32> to vector<256x1xf32>
    %mul3A_345 = vector.broadcast %slice3A_344 : vector<256x1xf32> to vector<256x32xf32>
    %mul3A_346 = arith.mulf %mul3A_345, %get3A_307 : vector<256x32xf32>
    %add3A_347 = arith.addf %add3A_256, %mul3A_346 : vector<256x32xf32>
    %slice3A_348 = vector.extract_strided_slice %max3A_335 {offsets = [0, 3], sizes = [256, 1], strides = [1, 1]} : vector<256x15xf32> to vector<256x1xf32>
    %mul3A_349 = vector.broadcast %slice3A_348 : vector<256x1xf32> to vector<256x32xf32>
    %mul3A_350 = arith.mulf %mul3A_349, %get3A_307 : vector<256x32xf32>
    %add3A_351 = arith.addf %add3A_260, %mul3A_350 : vector<256x32xf32>
    %slice3A_352 = vector.extract_strided_slice %max3A_335 {offsets = [0, 4], sizes = [256, 1], strides = [1, 1]} : vector<256x15xf32> to vector<256x1xf32>
    %mul3A_353 = vector.broadcast %slice3A_352 : vector<256x1xf32> to vector<256x32xf32>
    %mul3A_354 = arith.mulf %mul3A_353, %get3A_307 : vector<256x32xf32>
    %add3A_355 = arith.addf %add3A_264, %mul3A_354 : vector<256x32xf32>
    %slice3A_356 = vector.extract_strided_slice %max3A_335 {offsets = [0, 5], sizes = [256, 1], strides = [1, 1]} : vector<256x15xf32> to vector<256x1xf32>
    %mul3A_357 = vector.broadcast %slice3A_356 : vector<256x1xf32> to vector<256x32xf32>
    %mul3A_358 = arith.mulf %mul3A_357, %get3A_307 : vector<256x32xf32>
    %add3A_359 = arith.addf %add3A_268, %mul3A_358 : vector<256x32xf32>
    %slice3A_360 = vector.extract_strided_slice %max3A_335 {offsets = [0, 6], sizes = [256, 1], strides = [1, 1]} : vector<256x15xf32> to vector<256x1xf32>
    %mul3A_361 = vector.broadcast %slice3A_360 : vector<256x1xf32> to vector<256x32xf32>
    %mul3A_362 = arith.mulf %mul3A_361, %get3A_307 : vector<256x32xf32>
    %add3A_363 = arith.addf %add3A_272, %mul3A_362 : vector<256x32xf32>
    %slice3A_364 = vector.extract_strided_slice %max3A_335 {offsets = [0, 7], sizes = [256, 1], strides = [1, 1]} : vector<256x15xf32> to vector<256x1xf32>
    %mul3A_365 = vector.broadcast %slice3A_364 : vector<256x1xf32> to vector<256x32xf32>
    %mul3A_366 = arith.mulf %mul3A_365, %get3A_307 : vector<256x32xf32>
    %add3A_367 = arith.addf %add3A_276, %mul3A_366 : vector<256x32xf32>
    %slice3A_368 = vector.extract_strided_slice %max3A_335 {offsets = [0, 8], sizes = [256, 1], strides = [1, 1]} : vector<256x15xf32> to vector<256x1xf32>
    %mul3A_369 = vector.broadcast %slice3A_368 : vector<256x1xf32> to vector<256x32xf32>
    %mul3A_370 = arith.mulf %mul3A_369, %get3A_307 : vector<256x32xf32>
    %add3A_371 = arith.addf %add3A_280, %mul3A_370 : vector<256x32xf32>
    %slice3A_372 = vector.extract_strided_slice %max3A_335 {offsets = [0, 9], sizes = [256, 1], strides = [1, 1]} : vector<256x15xf32> to vector<256x1xf32>
    %mul3A_373 = vector.broadcast %slice3A_372 : vector<256x1xf32> to vector<256x32xf32>
    %mul3A_374 = arith.mulf %mul3A_373, %get3A_307 : vector<256x32xf32>
    %add3A_375 = arith.addf %add3A_284, %mul3A_374 : vector<256x32xf32>
    %slice3A_376 = vector.extract_strided_slice %max3A_335 {offsets = [0, 10], sizes = [256, 1], strides = [1, 1]} : vector<256x15xf32> to vector<256x1xf32>
    %mul3A_377 = vector.broadcast %slice3A_376 : vector<256x1xf32> to vector<256x32xf32>
    %mul3A_378 = arith.mulf %mul3A_377, %get3A_307 : vector<256x32xf32>
    %add3A_379 = arith.addf %add3A_288, %mul3A_378 : vector<256x32xf32>
    %slice3A_380 = vector.extract_strided_slice %max3A_335 {offsets = [0, 11], sizes = [256, 1], strides = [1, 1]} : vector<256x15xf32> to vector<256x1xf32>
    %mul3A_381 = vector.broadcast %slice3A_380 : vector<256x1xf32> to vector<256x32xf32>
    %mul3A_382 = arith.mulf %mul3A_381, %get3A_307 : vector<256x32xf32>
    %add3A_383 = arith.addf %add3A_292, %mul3A_382 : vector<256x32xf32>
    %slice3A_384 = vector.extract_strided_slice %max3A_335 {offsets = [0, 12], sizes = [256, 1], strides = [1, 1]} : vector<256x15xf32> to vector<256x1xf32>
    %mul3A_385 = vector.broadcast %slice3A_384 : vector<256x1xf32> to vector<256x32xf32>
    %mul3A_386 = arith.mulf %mul3A_385, %get3A_307 : vector<256x32xf32>
    %add3A_387 = arith.addf %add3A_296, %mul3A_386 : vector<256x32xf32>
    %slice3A_388 = vector.extract_strided_slice %max3A_335 {offsets = [0, 13], sizes = [256, 1], strides = [1, 1]} : vector<256x15xf32> to vector<256x1xf32>
    %mul3A_389 = vector.broadcast %slice3A_388 : vector<256x1xf32> to vector<256x32xf32>
    %mul3A_390 = arith.mulf %mul3A_389, %get3A_307 : vector<256x32xf32>
    %add3A_391 = arith.addf %add3A_300, %mul3A_390 : vector<256x32xf32>
    %slice3A_392 = vector.extract_strided_slice %max3A_335 {offsets = [0, 14], sizes = [256, 1], strides = [1, 1]} : vector<256x15xf32> to vector<256x1xf32>
    %mul3A_393 = vector.broadcast %slice3A_392 : vector<256x1xf32> to vector<256x32xf32>
    %mul3A_394 = arith.mulf %mul3A_393, %get3A_307 : vector<256x32xf32>
    %add3A_395 = arith.addf %add3A_304, %mul3A_394 : vector<256x32xf32>
    %get3A_396 = arith.constant 0 : index
    %get3A_397 = arith.constant 512 : index
    %get3A_398 = vector.load %arg2[%get3A_396, %get3A_397] : memref<256x2048xf32, #tpu.memory_space<vmem>>, vector<256x32xf32>
    %get3A_399 = arith.constant 0 : index
    %get3A_400 = arith.constant 544 : index
    %get3A_401 = vector.load %arg2[%get3A_399, %get3A_400] : memref<256x2048xf32, #tpu.memory_space<vmem>>, vector<256x15xf32>
    %get3A_402 = arith.constant 0 : index
    %get3A_403 = arith.constant 4 : index
    %get3A_404 = vector.load %arg3[%get3A_402, %get3A_403] : memref<256x16xf32, #tpu.memory_space<vmem>>, vector<256x1xf32>
    %mul3A_405 = arith.constant 2.000000e+00 : f32
    %mul3A_406 = vector.broadcast %mul3A_405 : f32 to vector<256x15xf32>
    %mul3A_407 = arith.mulf %mul3A_406, %get3A_401 : vector<256x15xf32>
    %sub3A_408 = vector.broadcast %get3A_404 : vector<256x1xf32> to vector<256x15xf32>
    %sub3A_409 = arith.subf %sub3A_408, %mul3A_407 : vector<256x15xf32>
    %add3A_410 = arith.addf %sub3A_409, %add3A_7 : vector<256x15xf32>
    %max3A_411 = arith.constant 0.000000e+00 : f32
    %max3A_412 = vector.broadcast %max3A_411 : f32 to vector<256x15xf32>
    %max3A_413 = arith.maximumf %add3A_410, %max3A_412 : vector<256x15xf32>
    %add3A_414 = arith.constant 9.99999996E-13 : f32
    %add3A_415 = vector.broadcast %add3A_414 : f32 to vector<256x15xf32>
    %add3A_416 = arith.addf %max3A_413, %add3A_415 : vector<256x15xf32>
    %sqrt3A_417 = math.sqrt %add3A_416 : vector<256x15xf32>
    %div3A_418 = arith.constant 8.000000e-02 : f32
    %div3A_419 = vector.broadcast %div3A_418 : f32 to vector<256x15xf32>
    %div3A_420 = arith.divf %sqrt3A_417, %div3A_419 : vector<256x15xf32>
    %sub3A_421 = arith.constant 1.000000e+00 : f32
    %sub3A_422 = vector.broadcast %sub3A_421 : f32 to vector<256x15xf32>
    %sub3A_423 = arith.subf %sub3A_422, %div3A_420 : vector<256x15xf32>
    %max3A_424 = arith.constant 0.000000e+00 : f32
    %max3A_425 = vector.broadcast %max3A_424 : f32 to vector<256x15xf32>
    %max3A_426 = arith.maximumf %sub3A_423, %max3A_425 : vector<256x15xf32>
    %slice3A_427 = vector.extract_strided_slice %max3A_426 {offsets = [0, 0], sizes = [256, 1], strides = [1, 1]} : vector<256x15xf32> to vector<256x1xf32>
    %mul3A_428 = vector.broadcast %slice3A_427 : vector<256x1xf32> to vector<256x32xf32>
    %mul3A_429 = arith.mulf %mul3A_428, %get3A_398 : vector<256x32xf32>
    %add3A_430 = arith.addf %add3A_339, %mul3A_429 : vector<256x32xf32>
    %slice3A_431 = vector.extract_strided_slice %max3A_426 {offsets = [0, 1], sizes = [256, 1], strides = [1, 1]} : vector<256x15xf32> to vector<256x1xf32>
    %mul3A_432 = vector.broadcast %slice3A_431 : vector<256x1xf32> to vector<256x32xf32>
    %mul3A_433 = arith.mulf %mul3A_432, %get3A_398 : vector<256x32xf32>
    %add3A_434 = arith.addf %add3A_343, %mul3A_433 : vector<256x32xf32>
    %slice3A_435 = vector.extract_strided_slice %max3A_426 {offsets = [0, 2], sizes = [256, 1], strides = [1, 1]} : vector<256x15xf32> to vector<256x1xf32>
    %mul3A_436 = vector.broadcast %slice3A_435 : vector<256x1xf32> to vector<256x32xf32>
    %mul3A_437 = arith.mulf %mul3A_436, %get3A_398 : vector<256x32xf32>
    %add3A_438 = arith.addf %add3A_347, %mul3A_437 : vector<256x32xf32>
    %slice3A_439 = vector.extract_strided_slice %max3A_426 {offsets = [0, 3], sizes = [256, 1], strides = [1, 1]} : vector<256x15xf32> to vector<256x1xf32>
    %mul3A_440 = vector.broadcast %slice3A_439 : vector<256x1xf32> to vector<256x32xf32>
    %mul3A_441 = arith.mulf %mul3A_440, %get3A_398 : vector<256x32xf32>
    %add3A_442 = arith.addf %add3A_351, %mul3A_441 : vector<256x32xf32>
    %slice3A_443 = vector.extract_strided_slice %max3A_426 {offsets = [0, 4], sizes = [256, 1], strides = [1, 1]} : vector<256x15xf32> to vector<256x1xf32>
    %mul3A_444 = vector.broadcast %slice3A_443 : vector<256x1xf32> to vector<256x32xf32>
    %mul3A_445 = arith.mulf %mul3A_444, %get3A_398 : vector<256x32xf32>
    %add3A_446 = arith.addf %add3A_355, %mul3A_445 : vector<256x32xf32>
    %slice3A_447 = vector.extract_strided_slice %max3A_426 {offsets = [0, 5], sizes = [256, 1], strides = [1, 1]} : vector<256x15xf32> to vector<256x1xf32>
    %mul3A_448 = vector.broadcast %slice3A_447 : vector<256x1xf32> to vector<256x32xf32>
    %mul3A_449 = arith.mulf %mul3A_448, %get3A_398 : vector<256x32xf32>
    %add3A_450 = arith.addf %add3A_359, %mul3A_449 : vector<256x32xf32>
    %slice3A_451 = vector.extract_strided_slice %max3A_426 {offsets = [0, 6], sizes = [256, 1], strides = [1, 1]} : vector<256x15xf32> to vector<256x1xf32>
    %mul3A_452 = vector.broadcast %slice3A_451 : vector<256x1xf32> to vector<256x32xf32>
    %mul3A_453 = arith.mulf %mul3A_452, %get3A_398 : vector<256x32xf32>
    %add3A_454 = arith.addf %add3A_363, %mul3A_453 : vector<256x32xf32>
    %slice3A_455 = vector.extract_strided_slice %max3A_426 {offsets = [0, 7], sizes = [256, 1], strides = [1, 1]} : vector<256x15xf32> to vector<256x1xf32>
    %mul3A_456 = vector.broadcast %slice3A_455 : vector<256x1xf32> to vector<256x32xf32>
    %mul3A_457 = arith.mulf %mul3A_456, %get3A_398 : vector<256x32xf32>
    %add3A_458 = arith.addf %add3A_367, %mul3A_457 : vector<256x32xf32>
    %slice3A_459 = vector.extract_strided_slice %max3A_426 {offsets = [0, 8], sizes = [256, 1], strides = [1, 1]} : vector<256x15xf32> to vector<256x1xf32>
    %mul3A_460 = vector.broadcast %slice3A_459 : vector<256x1xf32> to vector<256x32xf32>
    %mul3A_461 = arith.mulf %mul3A_460, %get3A_398 : vector<256x32xf32>
    %add3A_462 = arith.addf %add3A_371, %mul3A_461 : vector<256x32xf32>
    %slice3A_463 = vector.extract_strided_slice %max3A_426 {offsets = [0, 9], sizes = [256, 1], strides = [1, 1]} : vector<256x15xf32> to vector<256x1xf32>
    %mul3A_464 = vector.broadcast %slice3A_463 : vector<256x1xf32> to vector<256x32xf32>
    %mul3A_465 = arith.mulf %mul3A_464, %get3A_398 : vector<256x32xf32>
    %add3A_466 = arith.addf %add3A_375, %mul3A_465 : vector<256x32xf32>
    %slice3A_467 = vector.extract_strided_slice %max3A_426 {offsets = [0, 10], sizes = [256, 1], strides = [1, 1]} : vector<256x15xf32> to vector<256x1xf32>
    %mul3A_468 = vector.broadcast %slice3A_467 : vector<256x1xf32> to vector<256x32xf32>
    %mul3A_469 = arith.mulf %mul3A_468, %get3A_398 : vector<256x32xf32>
    %add3A_470 = arith.addf %add3A_379, %mul3A_469 : vector<256x32xf32>
    %slice3A_471 = vector.extract_strided_slice %max3A_426 {offsets = [0, 11], sizes = [256, 1], strides = [1, 1]} : vector<256x15xf32> to vector<256x1xf32>
    %mul3A_472 = vector.broadcast %slice3A_471 : vector<256x1xf32> to vector<256x32xf32>
    %mul3A_473 = arith.mulf %mul3A_472, %get3A_398 : vector<256x32xf32>
    %add3A_474 = arith.addf %add3A_383, %mul3A_473 : vector<256x32xf32>
    %slice3A_475 = vector.extract_strided_slice %max3A_426 {offsets = [0, 12], sizes = [256, 1], strides = [1, 1]} : vector<256x15xf32> to vector<256x1xf32>
    %mul3A_476 = vector.broadcast %slice3A_475 : vector<256x1xf32> to vector<256x32xf32>
    %mul3A_477 = arith.mulf %mul3A_476, %get3A_398 : vector<256x32xf32>
    %add3A_478 = arith.addf %add3A_387, %mul3A_477 : vector<256x32xf32>
    %slice3A_479 = vector.extract_strided_slice %max3A_426 {offsets = [0, 13], sizes = [256, 1], strides = [1, 1]} : vector<256x15xf32> to vector<256x1xf32>
    %mul3A_480 = vector.broadcast %slice3A_479 : vector<256x1xf32> to vector<256x32xf32>
    %mul3A_481 = arith.mulf %mul3A_480, %get3A_398 : vector<256x32xf32>
    %add3A_482 = arith.addf %add3A_391, %mul3A_481 : vector<256x32xf32>
    %slice3A_483 = vector.extract_strided_slice %max3A_426 {offsets = [0, 14], sizes = [256, 1], strides = [1, 1]} : vector<256x15xf32> to vector<256x1xf32>
    %mul3A_484 = vector.broadcast %slice3A_483 : vector<256x1xf32> to vector<256x32xf32>
    %mul3A_485 = arith.mulf %mul3A_484, %get3A_398 : vector<256x32xf32>
    %add3A_486 = arith.addf %add3A_395, %mul3A_485 : vector<256x32xf32>
    %get3A_487 = arith.constant 0 : index
    %get3A_488 = arith.constant 640 : index
    %get3A_489 = vector.load %arg2[%get3A_487, %get3A_488] : memref<256x2048xf32, #tpu.memory_space<vmem>>, vector<256x32xf32>
    %get3A_490 = arith.constant 0 : index
    %get3A_491 = arith.constant 672 : index
    %get3A_492 = vector.load %arg2[%get3A_490, %get3A_491] : memref<256x2048xf32, #tpu.memory_space<vmem>>, vector<256x15xf32>
    %get3A_493 = arith.constant 0 : index
    %get3A_494 = arith.constant 5 : index
    %get3A_495 = vector.load %arg3[%get3A_493, %get3A_494] : memref<256x16xf32, #tpu.memory_space<vmem>>, vector<256x1xf32>
    %mul3A_496 = arith.constant 2.000000e+00 : f32
    %mul3A_497 = vector.broadcast %mul3A_496 : f32 to vector<256x15xf32>
    %mul3A_498 = arith.mulf %mul3A_497, %get3A_492 : vector<256x15xf32>
    %sub3A_499 = vector.broadcast %get3A_495 : vector<256x1xf32> to vector<256x15xf32>
    %sub3A_500 = arith.subf %sub3A_499, %mul3A_498 : vector<256x15xf32>
    %add3A_501 = arith.addf %sub3A_500, %add3A_7 : vector<256x15xf32>
    %max3A_502 = arith.constant 0.000000e+00 : f32
    %max3A_503 = vector.broadcast %max3A_502 : f32 to vector<256x15xf32>
    %max3A_504 = arith.maximumf %add3A_501, %max3A_503 : vector<256x15xf32>
    %add3A_505 = arith.constant 9.99999996E-13 : f32
    %add3A_506 = vector.broadcast %add3A_505 : f32 to vector<256x15xf32>
    %add3A_507 = arith.addf %max3A_504, %add3A_506 : vector<256x15xf32>
    %sqrt3A_508 = math.sqrt %add3A_507 : vector<256x15xf32>
    %div3A_509 = arith.constant 8.000000e-02 : f32
    %div3A_510 = vector.broadcast %div3A_509 : f32 to vector<256x15xf32>
    %div3A_511 = arith.divf %sqrt3A_508, %div3A_510 : vector<256x15xf32>
    %sub3A_512 = arith.constant 1.000000e+00 : f32
    %sub3A_513 = vector.broadcast %sub3A_512 : f32 to vector<256x15xf32>
    %sub3A_514 = arith.subf %sub3A_513, %div3A_511 : vector<256x15xf32>
    %max3A_515 = arith.constant 0.000000e+00 : f32
    %max3A_516 = vector.broadcast %max3A_515 : f32 to vector<256x15xf32>
    %max3A_517 = arith.maximumf %sub3A_514, %max3A_516 : vector<256x15xf32>
    %slice3A_518 = vector.extract_strided_slice %max3A_517 {offsets = [0, 0], sizes = [256, 1], strides = [1, 1]} : vector<256x15xf32> to vector<256x1xf32>
    %mul3A_519 = vector.broadcast %slice3A_518 : vector<256x1xf32> to vector<256x32xf32>
    %mul3A_520 = arith.mulf %mul3A_519, %get3A_489 : vector<256x32xf32>
    %add3A_521 = arith.addf %add3A_430, %mul3A_520 : vector<256x32xf32>
    %slice3A_522 = vector.extract_strided_slice %max3A_517 {offsets = [0, 1], sizes = [256, 1], strides = [1, 1]} : vector<256x15xf32> to vector<256x1xf32>
    %mul3A_523 = vector.broadcast %slice3A_522 : vector<256x1xf32> to vector<256x32xf32>
    %mul3A_524 = arith.mulf %mul3A_523, %get3A_489 : vector<256x32xf32>
    %add3A_525 = arith.addf %add3A_434, %mul3A_524 : vector<256x32xf32>
    %slice3A_526 = vector.extract_strided_slice %max3A_517 {offsets = [0, 2], sizes = [256, 1], strides = [1, 1]} : vector<256x15xf32> to vector<256x1xf32>
    %mul3A_527 = vector.broadcast %slice3A_526 : vector<256x1xf32> to vector<256x32xf32>
    %mul3A_528 = arith.mulf %mul3A_527, %get3A_489 : vector<256x32xf32>
    %add3A_529 = arith.addf %add3A_438, %mul3A_528 : vector<256x32xf32>
    %slice3A_530 = vector.extract_strided_slice %max3A_517 {offsets = [0, 3], sizes = [256, 1], strides = [1, 1]} : vector<256x15xf32> to vector<256x1xf32>
    %mul3A_531 = vector.broadcast %slice3A_530 : vector<256x1xf32> to vector<256x32xf32>
    %mul3A_532 = arith.mulf %mul3A_531, %get3A_489 : vector<256x32xf32>
    %add3A_533 = arith.addf %add3A_442, %mul3A_532 : vector<256x32xf32>
    %slice3A_534 = vector.extract_strided_slice %max3A_517 {offsets = [0, 4], sizes = [256, 1], strides = [1, 1]} : vector<256x15xf32> to vector<256x1xf32>
    %mul3A_535 = vector.broadcast %slice3A_534 : vector<256x1xf32> to vector<256x32xf32>
    %mul3A_536 = arith.mulf %mul3A_535, %get3A_489 : vector<256x32xf32>
    %add3A_537 = arith.addf %add3A_446, %mul3A_536 : vector<256x32xf32>
    %slice3A_538 = vector.extract_strided_slice %max3A_517 {offsets = [0, 5], sizes = [256, 1], strides = [1, 1]} : vector<256x15xf32> to vector<256x1xf32>
    %mul3A_539 = vector.broadcast %slice3A_538 : vector<256x1xf32> to vector<256x32xf32>
    %mul3A_540 = arith.mulf %mul3A_539, %get3A_489 : vector<256x32xf32>
    %add3A_541 = arith.addf %add3A_450, %mul3A_540 : vector<256x32xf32>
    %slice3A_542 = vector.extract_strided_slice %max3A_517 {offsets = [0, 6], sizes = [256, 1], strides = [1, 1]} : vector<256x15xf32> to vector<256x1xf32>
    %mul3A_543 = vector.broadcast %slice3A_542 : vector<256x1xf32> to vector<256x32xf32>
    %mul3A_544 = arith.mulf %mul3A_543, %get3A_489 : vector<256x32xf32>
    %add3A_545 = arith.addf %add3A_454, %mul3A_544 : vector<256x32xf32>
    %slice3A_546 = vector.extract_strided_slice %max3A_517 {offsets = [0, 7], sizes = [256, 1], strides = [1, 1]} : vector<256x15xf32> to vector<256x1xf32>
    %mul3A_547 = vector.broadcast %slice3A_546 : vector<256x1xf32> to vector<256x32xf32>
    %mul3A_548 = arith.mulf %mul3A_547, %get3A_489 : vector<256x32xf32>
    %add3A_549 = arith.addf %add3A_458, %mul3A_548 : vector<256x32xf32>
    %slice3A_550 = vector.extract_strided_slice %max3A_517 {offsets = [0, 8], sizes = [256, 1], strides = [1, 1]} : vector<256x15xf32> to vector<256x1xf32>
    %mul3A_551 = vector.broadcast %slice3A_550 : vector<256x1xf32> to vector<256x32xf32>
    %mul3A_552 = arith.mulf %mul3A_551, %get3A_489 : vector<256x32xf32>
    %add3A_553 = arith.addf %add3A_462, %mul3A_552 : vector<256x32xf32>
    %slice3A_554 = vector.extract_strided_slice %max3A_517 {offsets = [0, 9], sizes = [256, 1], strides = [1, 1]} : vector<256x15xf32> to vector<256x1xf32>
    %mul3A_555 = vector.broadcast %slice3A_554 : vector<256x1xf32> to vector<256x32xf32>
    %mul3A_556 = arith.mulf %mul3A_555, %get3A_489 : vector<256x32xf32>
    %add3A_557 = arith.addf %add3A_466, %mul3A_556 : vector<256x32xf32>
    %slice3A_558 = vector.extract_strided_slice %max3A_517 {offsets = [0, 10], sizes = [256, 1], strides = [1, 1]} : vector<256x15xf32> to vector<256x1xf32>
    %mul3A_559 = vector.broadcast %slice3A_558 : vector<256x1xf32> to vector<256x32xf32>
    %mul3A_560 = arith.mulf %mul3A_559, %get3A_489 : vector<256x32xf32>
    %add3A_561 = arith.addf %add3A_470, %mul3A_560 : vector<256x32xf32>
    %slice3A_562 = vector.extract_strided_slice %max3A_517 {offsets = [0, 11], sizes = [256, 1], strides = [1, 1]} : vector<256x15xf32> to vector<256x1xf32>
    %mul3A_563 = vector.broadcast %slice3A_562 : vector<256x1xf32> to vector<256x32xf32>
    %mul3A_564 = arith.mulf %mul3A_563, %get3A_489 : vector<256x32xf32>
    %add3A_565 = arith.addf %add3A_474, %mul3A_564 : vector<256x32xf32>
    %slice3A_566 = vector.extract_strided_slice %max3A_517 {offsets = [0, 12], sizes = [256, 1], strides = [1, 1]} : vector<256x15xf32> to vector<256x1xf32>
    %mul3A_567 = vector.broadcast %slice3A_566 : vector<256x1xf32> to vector<256x32xf32>
    %mul3A_568 = arith.mulf %mul3A_567, %get3A_489 : vector<256x32xf32>
    %add3A_569 = arith.addf %add3A_478, %mul3A_568 : vector<256x32xf32>
    %slice3A_570 = vector.extract_strided_slice %max3A_517 {offsets = [0, 13], sizes = [256, 1], strides = [1, 1]} : vector<256x15xf32> to vector<256x1xf32>
    %mul3A_571 = vector.broadcast %slice3A_570 : vector<256x1xf32> to vector<256x32xf32>
    %mul3A_572 = arith.mulf %mul3A_571, %get3A_489 : vector<256x32xf32>
    %add3A_573 = arith.addf %add3A_482, %mul3A_572 : vector<256x32xf32>
    %slice3A_574 = vector.extract_strided_slice %max3A_517 {offsets = [0, 14], sizes = [256, 1], strides = [1, 1]} : vector<256x15xf32> to vector<256x1xf32>
    %mul3A_575 = vector.broadcast %slice3A_574 : vector<256x1xf32> to vector<256x32xf32>
    %mul3A_576 = arith.mulf %mul3A_575, %get3A_489 : vector<256x32xf32>
    %add3A_577 = arith.addf %add3A_486, %mul3A_576 : vector<256x32xf32>
    %get3A_578 = arith.constant 0 : index
    %get3A_579 = arith.constant 768 : index
    %get3A_580 = vector.load %arg2[%get3A_578, %get3A_579] : memref<256x2048xf32, #tpu.memory_space<vmem>>, vector<256x32xf32>
    %get3A_581 = arith.constant 0 : index
    %get3A_582 = arith.constant 800 : index
    %get3A_583 = vector.load %arg2[%get3A_581, %get3A_582] : memref<256x2048xf32, #tpu.memory_space<vmem>>, vector<256x15xf32>
    %get3A_584 = arith.constant 0 : index
    %get3A_585 = arith.constant 6 : index
    %get3A_586 = vector.load %arg3[%get3A_584, %get3A_585] : memref<256x16xf32, #tpu.memory_space<vmem>>, vector<256x1xf32>
    %mul3A_587 = arith.constant 2.000000e+00 : f32
    %mul3A_588 = vector.broadcast %mul3A_587 : f32 to vector<256x15xf32>
    %mul3A_589 = arith.mulf %mul3A_588, %get3A_583 : vector<256x15xf32>
    %sub3A_590 = vector.broadcast %get3A_586 : vector<256x1xf32> to vector<256x15xf32>
    %sub3A_591 = arith.subf %sub3A_590, %mul3A_589 : vector<256x15xf32>
    %add3A_592 = arith.addf %sub3A_591, %add3A_7 : vector<256x15xf32>
    %max3A_593 = arith.constant 0.000000e+00 : f32
    %max3A_594 = vector.broadcast %max3A_593 : f32 to vector<256x15xf32>
    %max3A_595 = arith.maximumf %add3A_592, %max3A_594 : vector<256x15xf32>
    %add3A_596 = arith.constant 9.99999996E-13 : f32
    %add3A_597 = vector.broadcast %add3A_596 : f32 to vector<256x15xf32>
    %add3A_598 = arith.addf %max3A_595, %add3A_597 : vector<256x15xf32>
    %sqrt3A_599 = math.sqrt %add3A_598 : vector<256x15xf32>
    %div3A_600 = arith.constant 8.000000e-02 : f32
    %div3A_601 = vector.broadcast %div3A_600 : f32 to vector<256x15xf32>
    %div3A_602 = arith.divf %sqrt3A_599, %div3A_601 : vector<256x15xf32>
    %sub3A_603 = arith.constant 1.000000e+00 : f32
    %sub3A_604 = vector.broadcast %sub3A_603 : f32 to vector<256x15xf32>
    %sub3A_605 = arith.subf %sub3A_604, %div3A_602 : vector<256x15xf32>
    %max3A_606 = arith.constant 0.000000e+00 : f32
    %max3A_607 = vector.broadcast %max3A_606 : f32 to vector<256x15xf32>
    %max3A_608 = arith.maximumf %sub3A_605, %max3A_607 : vector<256x15xf32>
    %slice3A_609 = vector.extract_strided_slice %max3A_608 {offsets = [0, 0], sizes = [256, 1], strides = [1, 1]} : vector<256x15xf32> to vector<256x1xf32>
    %mul3A_610 = vector.broadcast %slice3A_609 : vector<256x1xf32> to vector<256x32xf32>
    %mul3A_611 = arith.mulf %mul3A_610, %get3A_580 : vector<256x32xf32>
    %add3A_612 = arith.addf %add3A_521, %mul3A_611 : vector<256x32xf32>
    %slice3A_613 = vector.extract_strided_slice %max3A_608 {offsets = [0, 1], sizes = [256, 1], strides = [1, 1]} : vector<256x15xf32> to vector<256x1xf32>
    %mul3A_614 = vector.broadcast %slice3A_613 : vector<256x1xf32> to vector<256x32xf32>
    %mul3A_615 = arith.mulf %mul3A_614, %get3A_580 : vector<256x32xf32>
    %add3A_616 = arith.addf %add3A_525, %mul3A_615 : vector<256x32xf32>
    %slice3A_617 = vector.extract_strided_slice %max3A_608 {offsets = [0, 2], sizes = [256, 1], strides = [1, 1]} : vector<256x15xf32> to vector<256x1xf32>
    %mul3A_618 = vector.broadcast %slice3A_617 : vector<256x1xf32> to vector<256x32xf32>
    %mul3A_619 = arith.mulf %mul3A_618, %get3A_580 : vector<256x32xf32>
    %add3A_620 = arith.addf %add3A_529, %mul3A_619 : vector<256x32xf32>
    %slice3A_621 = vector.extract_strided_slice %max3A_608 {offsets = [0, 3], sizes = [256, 1], strides = [1, 1]} : vector<256x15xf32> to vector<256x1xf32>
    %mul3A_622 = vector.broadcast %slice3A_621 : vector<256x1xf32> to vector<256x32xf32>
    %mul3A_623 = arith.mulf %mul3A_622, %get3A_580 : vector<256x32xf32>
    %add3A_624 = arith.addf %add3A_533, %mul3A_623 : vector<256x32xf32>
    %slice3A_625 = vector.extract_strided_slice %max3A_608 {offsets = [0, 4], sizes = [256, 1], strides = [1, 1]} : vector<256x15xf32> to vector<256x1xf32>
    %mul3A_626 = vector.broadcast %slice3A_625 : vector<256x1xf32> to vector<256x32xf32>
    %mul3A_627 = arith.mulf %mul3A_626, %get3A_580 : vector<256x32xf32>
    %add3A_628 = arith.addf %add3A_537, %mul3A_627 : vector<256x32xf32>
    %slice3A_629 = vector.extract_strided_slice %max3A_608 {offsets = [0, 5], sizes = [256, 1], strides = [1, 1]} : vector<256x15xf32> to vector<256x1xf32>
    %mul3A_630 = vector.broadcast %slice3A_629 : vector<256x1xf32> to vector<256x32xf32>
    %mul3A_631 = arith.mulf %mul3A_630, %get3A_580 : vector<256x32xf32>
    %add3A_632 = arith.addf %add3A_541, %mul3A_631 : vector<256x32xf32>
    %slice3A_633 = vector.extract_strided_slice %max3A_608 {offsets = [0, 6], sizes = [256, 1], strides = [1, 1]} : vector<256x15xf32> to vector<256x1xf32>
    %mul3A_634 = vector.broadcast %slice3A_633 : vector<256x1xf32> to vector<256x32xf32>
    %mul3A_635 = arith.mulf %mul3A_634, %get3A_580 : vector<256x32xf32>
    %add3A_636 = arith.addf %add3A_545, %mul3A_635 : vector<256x32xf32>
    %slice3A_637 = vector.extract_strided_slice %max3A_608 {offsets = [0, 7], sizes = [256, 1], strides = [1, 1]} : vector<256x15xf32> to vector<256x1xf32>
    %mul3A_638 = vector.broadcast %slice3A_637 : vector<256x1xf32> to vector<256x32xf32>
    %mul3A_639 = arith.mulf %mul3A_638, %get3A_580 : vector<256x32xf32>
    %add3A_640 = arith.addf %add3A_549, %mul3A_639 : vector<256x32xf32>
    %slice3A_641 = vector.extract_strided_slice %max3A_608 {offsets = [0, 8], sizes = [256, 1], strides = [1, 1]} : vector<256x15xf32> to vector<256x1xf32>
    %mul3A_642 = vector.broadcast %slice3A_641 : vector<256x1xf32> to vector<256x32xf32>
    %mul3A_643 = arith.mulf %mul3A_642, %get3A_580 : vector<256x32xf32>
    %add3A_644 = arith.addf %add3A_553, %mul3A_643 : vector<256x32xf32>
    %slice3A_645 = vector.extract_strided_slice %max3A_608 {offsets = [0, 9], sizes = [256, 1], strides = [1, 1]} : vector<256x15xf32> to vector<256x1xf32>
    %mul3A_646 = vector.broadcast %slice3A_645 : vector<256x1xf32> to vector<256x32xf32>
    %mul3A_647 = arith.mulf %mul3A_646, %get3A_580 : vector<256x32xf32>
    %add3A_648 = arith.addf %add3A_557, %mul3A_647 : vector<256x32xf32>
    %slice3A_649 = vector.extract_strided_slice %max3A_608 {offsets = [0, 10], sizes = [256, 1], strides = [1, 1]} : vector<256x15xf32> to vector<256x1xf32>
    %mul3A_650 = vector.broadcast %slice3A_649 : vector<256x1xf32> to vector<256x32xf32>
    %mul3A_651 = arith.mulf %mul3A_650, %get3A_580 : vector<256x32xf32>
    %add3A_652 = arith.addf %add3A_561, %mul3A_651 : vector<256x32xf32>
    %slice3A_653 = vector.extract_strided_slice %max3A_608 {offsets = [0, 11], sizes = [256, 1], strides = [1, 1]} : vector<256x15xf32> to vector<256x1xf32>
    %mul3A_654 = vector.broadcast %slice3A_653 : vector<256x1xf32> to vector<256x32xf32>
    %mul3A_655 = arith.mulf %mul3A_654, %get3A_580 : vector<256x32xf32>
    %add3A_656 = arith.addf %add3A_565, %mul3A_655 : vector<256x32xf32>
    %slice3A_657 = vector.extract_strided_slice %max3A_608 {offsets = [0, 12], sizes = [256, 1], strides = [1, 1]} : vector<256x15xf32> to vector<256x1xf32>
    %mul3A_658 = vector.broadcast %slice3A_657 : vector<256x1xf32> to vector<256x32xf32>
    %mul3A_659 = arith.mulf %mul3A_658, %get3A_580 : vector<256x32xf32>
    %add3A_660 = arith.addf %add3A_569, %mul3A_659 : vector<256x32xf32>
    %slice3A_661 = vector.extract_strided_slice %max3A_608 {offsets = [0, 13], sizes = [256, 1], strides = [1, 1]} : vector<256x15xf32> to vector<256x1xf32>
    %mul3A_662 = vector.broadcast %slice3A_661 : vector<256x1xf32> to vector<256x32xf32>
    %mul3A_663 = arith.mulf %mul3A_662, %get3A_580 : vector<256x32xf32>
    %add3A_664 = arith.addf %add3A_573, %mul3A_663 : vector<256x32xf32>
    %slice3A_665 = vector.extract_strided_slice %max3A_608 {offsets = [0, 14], sizes = [256, 1], strides = [1, 1]} : vector<256x15xf32> to vector<256x1xf32>
    %mul3A_666 = vector.broadcast %slice3A_665 : vector<256x1xf32> to vector<256x32xf32>
    %mul3A_667 = arith.mulf %mul3A_666, %get3A_580 : vector<256x32xf32>
    %add3A_668 = arith.addf %add3A_577, %mul3A_667 : vector<256x32xf32>
    %get3A_669 = arith.constant 0 : index
    %get3A_670 = arith.constant 896 : index
    %get3A_671 = vector.load %arg2[%get3A_669, %get3A_670] : memref<256x2048xf32, #tpu.memory_space<vmem>>, vector<256x32xf32>
    %get3A_672 = arith.constant 0 : index
    %get3A_673 = arith.constant 928 : index
    %get3A_674 = vector.load %arg2[%get3A_672, %get3A_673] : memref<256x2048xf32, #tpu.memory_space<vmem>>, vector<256x15xf32>
    %get3A_675 = arith.constant 0 : index
    %get3A_676 = arith.constant 7 : index
    %get3A_677 = vector.load %arg3[%get3A_675, %get3A_676] : memref<256x16xf32, #tpu.memory_space<vmem>>, vector<256x1xf32>
    %mul3A_678 = arith.constant 2.000000e+00 : f32
    %mul3A_679 = vector.broadcast %mul3A_678 : f32 to vector<256x15xf32>
    %mul3A_680 = arith.mulf %mul3A_679, %get3A_674 : vector<256x15xf32>
    %sub3A_681 = vector.broadcast %get3A_677 : vector<256x1xf32> to vector<256x15xf32>
    %sub3A_682 = arith.subf %sub3A_681, %mul3A_680 : vector<256x15xf32>
    %add3A_683 = arith.addf %sub3A_682, %add3A_7 : vector<256x15xf32>
    %max3A_684 = arith.constant 0.000000e+00 : f32
    %max3A_685 = vector.broadcast %max3A_684 : f32 to vector<256x15xf32>
    %max3A_686 = arith.maximumf %add3A_683, %max3A_685 : vector<256x15xf32>
    %add3A_687 = arith.constant 9.99999996E-13 : f32
    %add3A_688 = vector.broadcast %add3A_687 : f32 to vector<256x15xf32>
    %add3A_689 = arith.addf %max3A_686, %add3A_688 : vector<256x15xf32>
    %sqrt3A_690 = math.sqrt %add3A_689 : vector<256x15xf32>
    %div3A_691 = arith.constant 8.000000e-02 : f32
    %div3A_692 = vector.broadcast %div3A_691 : f32 to vector<256x15xf32>
    %div3A_693 = arith.divf %sqrt3A_690, %div3A_692 : vector<256x15xf32>
    %sub3A_694 = arith.constant 1.000000e+00 : f32
    %sub3A_695 = vector.broadcast %sub3A_694 : f32 to vector<256x15xf32>
    %sub3A_696 = arith.subf %sub3A_695, %div3A_693 : vector<256x15xf32>
    %max3A_697 = arith.constant 0.000000e+00 : f32
    %max3A_698 = vector.broadcast %max3A_697 : f32 to vector<256x15xf32>
    %max3A_699 = arith.maximumf %sub3A_696, %max3A_698 : vector<256x15xf32>
    %slice3A_700 = vector.extract_strided_slice %max3A_699 {offsets = [0, 0], sizes = [256, 1], strides = [1, 1]} : vector<256x15xf32> to vector<256x1xf32>
    %mul3A_701 = vector.broadcast %slice3A_700 : vector<256x1xf32> to vector<256x32xf32>
    %mul3A_702 = arith.mulf %mul3A_701, %get3A_671 : vector<256x32xf32>
    %add3A_703 = arith.addf %add3A_612, %mul3A_702 : vector<256x32xf32>
    %slice3A_704 = vector.extract_strided_slice %max3A_699 {offsets = [0, 1], sizes = [256, 1], strides = [1, 1]} : vector<256x15xf32> to vector<256x1xf32>
    %mul3A_705 = vector.broadcast %slice3A_704 : vector<256x1xf32> to vector<256x32xf32>
    %mul3A_706 = arith.mulf %mul3A_705, %get3A_671 : vector<256x32xf32>
    %add3A_707 = arith.addf %add3A_616, %mul3A_706 : vector<256x32xf32>
    %slice3A_708 = vector.extract_strided_slice %max3A_699 {offsets = [0, 2], sizes = [256, 1], strides = [1, 1]} : vector<256x15xf32> to vector<256x1xf32>
    %mul3A_709 = vector.broadcast %slice3A_708 : vector<256x1xf32> to vector<256x32xf32>
    %mul3A_710 = arith.mulf %mul3A_709, %get3A_671 : vector<256x32xf32>
    %add3A_711 = arith.addf %add3A_620, %mul3A_710 : vector<256x32xf32>
    %slice3A_712 = vector.extract_strided_slice %max3A_699 {offsets = [0, 3], sizes = [256, 1], strides = [1, 1]} : vector<256x15xf32> to vector<256x1xf32>
    %mul3A_713 = vector.broadcast %slice3A_712 : vector<256x1xf32> to vector<256x32xf32>
    %mul3A_714 = arith.mulf %mul3A_713, %get3A_671 : vector<256x32xf32>
    %add3A_715 = arith.addf %add3A_624, %mul3A_714 : vector<256x32xf32>
    %slice3A_716 = vector.extract_strided_slice %max3A_699 {offsets = [0, 4], sizes = [256, 1], strides = [1, 1]} : vector<256x15xf32> to vector<256x1xf32>
    %mul3A_717 = vector.broadcast %slice3A_716 : vector<256x1xf32> to vector<256x32xf32>
    %mul3A_718 = arith.mulf %mul3A_717, %get3A_671 : vector<256x32xf32>
    %add3A_719 = arith.addf %add3A_628, %mul3A_718 : vector<256x32xf32>
    %slice3A_720 = vector.extract_strided_slice %max3A_699 {offsets = [0, 5], sizes = [256, 1], strides = [1, 1]} : vector<256x15xf32> to vector<256x1xf32>
    %mul3A_721 = vector.broadcast %slice3A_720 : vector<256x1xf32> to vector<256x32xf32>
    %mul3A_722 = arith.mulf %mul3A_721, %get3A_671 : vector<256x32xf32>
    %add3A_723 = arith.addf %add3A_632, %mul3A_722 : vector<256x32xf32>
    %slice3A_724 = vector.extract_strided_slice %max3A_699 {offsets = [0, 6], sizes = [256, 1], strides = [1, 1]} : vector<256x15xf32> to vector<256x1xf32>
    %mul3A_725 = vector.broadcast %slice3A_724 : vector<256x1xf32> to vector<256x32xf32>
    %mul3A_726 = arith.mulf %mul3A_725, %get3A_671 : vector<256x32xf32>
    %add3A_727 = arith.addf %add3A_636, %mul3A_726 : vector<256x32xf32>
    %slice3A_728 = vector.extract_strided_slice %max3A_699 {offsets = [0, 7], sizes = [256, 1], strides = [1, 1]} : vector<256x15xf32> to vector<256x1xf32>
    %mul3A_729 = vector.broadcast %slice3A_728 : vector<256x1xf32> to vector<256x32xf32>
    %mul3A_730 = arith.mulf %mul3A_729, %get3A_671 : vector<256x32xf32>
    %add3A_731 = arith.addf %add3A_640, %mul3A_730 : vector<256x32xf32>
    %slice3A_732 = vector.extract_strided_slice %max3A_699 {offsets = [0, 8], sizes = [256, 1], strides = [1, 1]} : vector<256x15xf32> to vector<256x1xf32>
    %mul3A_733 = vector.broadcast %slice3A_732 : vector<256x1xf32> to vector<256x32xf32>
    %mul3A_734 = arith.mulf %mul3A_733, %get3A_671 : vector<256x32xf32>
    %add3A_735 = arith.addf %add3A_644, %mul3A_734 : vector<256x32xf32>
    %slice3A_736 = vector.extract_strided_slice %max3A_699 {offsets = [0, 9], sizes = [256, 1], strides = [1, 1]} : vector<256x15xf32> to vector<256x1xf32>
    %mul3A_737 = vector.broadcast %slice3A_736 : vector<256x1xf32> to vector<256x32xf32>
    %mul3A_738 = arith.mulf %mul3A_737, %get3A_671 : vector<256x32xf32>
    %add3A_739 = arith.addf %add3A_648, %mul3A_738 : vector<256x32xf32>
    %slice3A_740 = vector.extract_strided_slice %max3A_699 {offsets = [0, 10], sizes = [256, 1], strides = [1, 1]} : vector<256x15xf32> to vector<256x1xf32>
    %mul3A_741 = vector.broadcast %slice3A_740 : vector<256x1xf32> to vector<256x32xf32>
    %mul3A_742 = arith.mulf %mul3A_741, %get3A_671 : vector<256x32xf32>
    %add3A_743 = arith.addf %add3A_652, %mul3A_742 : vector<256x32xf32>
    %slice3A_744 = vector.extract_strided_slice %max3A_699 {offsets = [0, 11], sizes = [256, 1], strides = [1, 1]} : vector<256x15xf32> to vector<256x1xf32>
    %mul3A_745 = vector.broadcast %slice3A_744 : vector<256x1xf32> to vector<256x32xf32>
    %mul3A_746 = arith.mulf %mul3A_745, %get3A_671 : vector<256x32xf32>
    %add3A_747 = arith.addf %add3A_656, %mul3A_746 : vector<256x32xf32>
    %slice3A_748 = vector.extract_strided_slice %max3A_699 {offsets = [0, 12], sizes = [256, 1], strides = [1, 1]} : vector<256x15xf32> to vector<256x1xf32>
    %mul3A_749 = vector.broadcast %slice3A_748 : vector<256x1xf32> to vector<256x32xf32>
    %mul3A_750 = arith.mulf %mul3A_749, %get3A_671 : vector<256x32xf32>
    %add3A_751 = arith.addf %add3A_660, %mul3A_750 : vector<256x32xf32>
    %slice3A_752 = vector.extract_strided_slice %max3A_699 {offsets = [0, 13], sizes = [256, 1], strides = [1, 1]} : vector<256x15xf32> to vector<256x1xf32>
    %mul3A_753 = vector.broadcast %slice3A_752 : vector<256x1xf32> to vector<256x32xf32>
    %mul3A_754 = arith.mulf %mul3A_753, %get3A_671 : vector<256x32xf32>
    %add3A_755 = arith.addf %add3A_664, %mul3A_754 : vector<256x32xf32>
    %slice3A_756 = vector.extract_strided_slice %max3A_699 {offsets = [0, 14], sizes = [256, 1], strides = [1, 1]} : vector<256x15xf32> to vector<256x1xf32>
    %mul3A_757 = vector.broadcast %slice3A_756 : vector<256x1xf32> to vector<256x32xf32>
    %mul3A_758 = arith.mulf %mul3A_757, %get3A_671 : vector<256x32xf32>
    %add3A_759 = arith.addf %add3A_668, %mul3A_758 : vector<256x32xf32>
    %get3A_760 = arith.constant 0 : index
    %get3A_761 = arith.constant 1024 : index
    %get3A_762 = vector.load %arg2[%get3A_760, %get3A_761] : memref<256x2048xf32, #tpu.memory_space<vmem>>, vector<256x32xf32>
    %get3A_763 = arith.constant 0 : index
    %get3A_764 = arith.constant 1056 : index
    %get3A_765 = vector.load %arg2[%get3A_763, %get3A_764] : memref<256x2048xf32, #tpu.memory_space<vmem>>, vector<256x15xf32>
    %get3A_766 = arith.constant 0 : index
    %get3A_767 = arith.constant 8 : index
    %get3A_768 = vector.load %arg3[%get3A_766, %get3A_767] : memref<256x16xf32, #tpu.memory_space<vmem>>, vector<256x1xf32>
    %mul3A_769 = arith.constant 2.000000e+00 : f32
    %mul3A_770 = vector.broadcast %mul3A_769 : f32 to vector<256x15xf32>
    %mul3A_771 = arith.mulf %mul3A_770, %get3A_765 : vector<256x15xf32>
    %sub3A_772 = vector.broadcast %get3A_768 : vector<256x1xf32> to vector<256x15xf32>
    %sub3A_773 = arith.subf %sub3A_772, %mul3A_771 : vector<256x15xf32>
    %add3A_774 = arith.addf %sub3A_773, %add3A_7 : vector<256x15xf32>
    %max3A_775 = arith.constant 0.000000e+00 : f32
    %max3A_776 = vector.broadcast %max3A_775 : f32 to vector<256x15xf32>
    %max3A_777 = arith.maximumf %add3A_774, %max3A_776 : vector<256x15xf32>
    %add3A_778 = arith.constant 9.99999996E-13 : f32
    %add3A_779 = vector.broadcast %add3A_778 : f32 to vector<256x15xf32>
    %add3A_780 = arith.addf %max3A_777, %add3A_779 : vector<256x15xf32>
    %sqrt3A_781 = math.sqrt %add3A_780 : vector<256x15xf32>
    %div3A_782 = arith.constant 8.000000e-02 : f32
    %div3A_783 = vector.broadcast %div3A_782 : f32 to vector<256x15xf32>
    %div3A_784 = arith.divf %sqrt3A_781, %div3A_783 : vector<256x15xf32>
    %sub3A_785 = arith.constant 1.000000e+00 : f32
    %sub3A_786 = vector.broadcast %sub3A_785 : f32 to vector<256x15xf32>
    %sub3A_787 = arith.subf %sub3A_786, %div3A_784 : vector<256x15xf32>
    %max3A_788 = arith.constant 0.000000e+00 : f32
    %max3A_789 = vector.broadcast %max3A_788 : f32 to vector<256x15xf32>
    %max3A_790 = arith.maximumf %sub3A_787, %max3A_789 : vector<256x15xf32>
    %slice3A_791 = vector.extract_strided_slice %max3A_790 {offsets = [0, 0], sizes = [256, 1], strides = [1, 1]} : vector<256x15xf32> to vector<256x1xf32>
    %mul3A_792 = vector.broadcast %slice3A_791 : vector<256x1xf32> to vector<256x32xf32>
    %mul3A_793 = arith.mulf %mul3A_792, %get3A_762 : vector<256x32xf32>
    %add3A_794 = arith.addf %add3A_703, %mul3A_793 : vector<256x32xf32>
    %slice3A_795 = vector.extract_strided_slice %max3A_790 {offsets = [0, 1], sizes = [256, 1], strides = [1, 1]} : vector<256x15xf32> to vector<256x1xf32>
    %mul3A_796 = vector.broadcast %slice3A_795 : vector<256x1xf32> to vector<256x32xf32>
    %mul3A_797 = arith.mulf %mul3A_796, %get3A_762 : vector<256x32xf32>
    %add3A_798 = arith.addf %add3A_707, %mul3A_797 : vector<256x32xf32>
    %slice3A_799 = vector.extract_strided_slice %max3A_790 {offsets = [0, 2], sizes = [256, 1], strides = [1, 1]} : vector<256x15xf32> to vector<256x1xf32>
    %mul3A_800 = vector.broadcast %slice3A_799 : vector<256x1xf32> to vector<256x32xf32>
    %mul3A_801 = arith.mulf %mul3A_800, %get3A_762 : vector<256x32xf32>
    %add3A_802 = arith.addf %add3A_711, %mul3A_801 : vector<256x32xf32>
    %slice3A_803 = vector.extract_strided_slice %max3A_790 {offsets = [0, 3], sizes = [256, 1], strides = [1, 1]} : vector<256x15xf32> to vector<256x1xf32>
    %mul3A_804 = vector.broadcast %slice3A_803 : vector<256x1xf32> to vector<256x32xf32>
    %mul3A_805 = arith.mulf %mul3A_804, %get3A_762 : vector<256x32xf32>
    %add3A_806 = arith.addf %add3A_715, %mul3A_805 : vector<256x32xf32>
    %slice3A_807 = vector.extract_strided_slice %max3A_790 {offsets = [0, 4], sizes = [256, 1], strides = [1, 1]} : vector<256x15xf32> to vector<256x1xf32>
    %mul3A_808 = vector.broadcast %slice3A_807 : vector<256x1xf32> to vector<256x32xf32>
    %mul3A_809 = arith.mulf %mul3A_808, %get3A_762 : vector<256x32xf32>
    %add3A_810 = arith.addf %add3A_719, %mul3A_809 : vector<256x32xf32>
    %slice3A_811 = vector.extract_strided_slice %max3A_790 {offsets = [0, 5], sizes = [256, 1], strides = [1, 1]} : vector<256x15xf32> to vector<256x1xf32>
    %mul3A_812 = vector.broadcast %slice3A_811 : vector<256x1xf32> to vector<256x32xf32>
    %mul3A_813 = arith.mulf %mul3A_812, %get3A_762 : vector<256x32xf32>
    %add3A_814 = arith.addf %add3A_723, %mul3A_813 : vector<256x32xf32>
    %slice3A_815 = vector.extract_strided_slice %max3A_790 {offsets = [0, 6], sizes = [256, 1], strides = [1, 1]} : vector<256x15xf32> to vector<256x1xf32>
    %mul3A_816 = vector.broadcast %slice3A_815 : vector<256x1xf32> to vector<256x32xf32>
    %mul3A_817 = arith.mulf %mul3A_816, %get3A_762 : vector<256x32xf32>
    %add3A_818 = arith.addf %add3A_727, %mul3A_817 : vector<256x32xf32>
    %slice3A_819 = vector.extract_strided_slice %max3A_790 {offsets = [0, 7], sizes = [256, 1], strides = [1, 1]} : vector<256x15xf32> to vector<256x1xf32>
    %mul3A_820 = vector.broadcast %slice3A_819 : vector<256x1xf32> to vector<256x32xf32>
    %mul3A_821 = arith.mulf %mul3A_820, %get3A_762 : vector<256x32xf32>
    %add3A_822 = arith.addf %add3A_731, %mul3A_821 : vector<256x32xf32>
    %slice3A_823 = vector.extract_strided_slice %max3A_790 {offsets = [0, 8], sizes = [256, 1], strides = [1, 1]} : vector<256x15xf32> to vector<256x1xf32>
    %mul3A_824 = vector.broadcast %slice3A_823 : vector<256x1xf32> to vector<256x32xf32>
    %mul3A_825 = arith.mulf %mul3A_824, %get3A_762 : vector<256x32xf32>
    %add3A_826 = arith.addf %add3A_735, %mul3A_825 : vector<256x32xf32>
    %slice3A_827 = vector.extract_strided_slice %max3A_790 {offsets = [0, 9], sizes = [256, 1], strides = [1, 1]} : vector<256x15xf32> to vector<256x1xf32>
    %mul3A_828 = vector.broadcast %slice3A_827 : vector<256x1xf32> to vector<256x32xf32>
    %mul3A_829 = arith.mulf %mul3A_828, %get3A_762 : vector<256x32xf32>
    %add3A_830 = arith.addf %add3A_739, %mul3A_829 : vector<256x32xf32>
    %slice3A_831 = vector.extract_strided_slice %max3A_790 {offsets = [0, 10], sizes = [256, 1], strides = [1, 1]} : vector<256x15xf32> to vector<256x1xf32>
    %mul3A_832 = vector.broadcast %slice3A_831 : vector<256x1xf32> to vector<256x32xf32>
    %mul3A_833 = arith.mulf %mul3A_832, %get3A_762 : vector<256x32xf32>
    %add3A_834 = arith.addf %add3A_743, %mul3A_833 : vector<256x32xf32>
    %slice3A_835 = vector.extract_strided_slice %max3A_790 {offsets = [0, 11], sizes = [256, 1], strides = [1, 1]} : vector<256x15xf32> to vector<256x1xf32>
    %mul3A_836 = vector.broadcast %slice3A_835 : vector<256x1xf32> to vector<256x32xf32>
    %mul3A_837 = arith.mulf %mul3A_836, %get3A_762 : vector<256x32xf32>
    %add3A_838 = arith.addf %add3A_747, %mul3A_837 : vector<256x32xf32>
    %slice3A_839 = vector.extract_strided_slice %max3A_790 {offsets = [0, 12], sizes = [256, 1], strides = [1, 1]} : vector<256x15xf32> to vector<256x1xf32>
    %mul3A_840 = vector.broadcast %slice3A_839 : vector<256x1xf32> to vector<256x32xf32>
    %mul3A_841 = arith.mulf %mul3A_840, %get3A_762 : vector<256x32xf32>
    %add3A_842 = arith.addf %add3A_751, %mul3A_841 : vector<256x32xf32>
    %slice3A_843 = vector.extract_strided_slice %max3A_790 {offsets = [0, 13], sizes = [256, 1], strides = [1, 1]} : vector<256x15xf32> to vector<256x1xf32>
    %mul3A_844 = vector.broadcast %slice3A_843 : vector<256x1xf32> to vector<256x32xf32>
    %mul3A_845 = arith.mulf %mul3A_844, %get3A_762 : vector<256x32xf32>
    %add3A_846 = arith.addf %add3A_755, %mul3A_845 : vector<256x32xf32>
    %slice3A_847 = vector.extract_strided_slice %max3A_790 {offsets = [0, 14], sizes = [256, 1], strides = [1, 1]} : vector<256x15xf32> to vector<256x1xf32>
    %mul3A_848 = vector.broadcast %slice3A_847 : vector<256x1xf32> to vector<256x32xf32>
    %mul3A_849 = arith.mulf %mul3A_848, %get3A_762 : vector<256x32xf32>
    %add3A_850 = arith.addf %add3A_759, %mul3A_849 : vector<256x32xf32>
    %get3A_851 = arith.constant 0 : index
    %get3A_852 = arith.constant 1152 : index
    %get3A_853 = vector.load %arg2[%get3A_851, %get3A_852] : memref<256x2048xf32, #tpu.memory_space<vmem>>, vector<256x32xf32>
    %get3A_854 = arith.constant 0 : index
    %get3A_855 = arith.constant 1184 : index
    %get3A_856 = vector.load %arg2[%get3A_854, %get3A_855] : memref<256x2048xf32, #tpu.memory_space<vmem>>, vector<256x15xf32>
    %get3A_857 = arith.constant 0 : index
    %get3A_858 = arith.constant 9 : index
    %get3A_859 = vector.load %arg3[%get3A_857, %get3A_858] : memref<256x16xf32, #tpu.memory_space<vmem>>, vector<256x1xf32>
    %mul3A_860 = arith.constant 2.000000e+00 : f32
    %mul3A_861 = vector.broadcast %mul3A_860 : f32 to vector<256x15xf32>
    %mul3A_862 = arith.mulf %mul3A_861, %get3A_856 : vector<256x15xf32>
    %sub3A_863 = vector.broadcast %get3A_859 : vector<256x1xf32> to vector<256x15xf32>
    %sub3A_864 = arith.subf %sub3A_863, %mul3A_862 : vector<256x15xf32>
    %add3A_865 = arith.addf %sub3A_864, %add3A_7 : vector<256x15xf32>
    %max3A_866 = arith.constant 0.000000e+00 : f32
    %max3A_867 = vector.broadcast %max3A_866 : f32 to vector<256x15xf32>
    %max3A_868 = arith.maximumf %add3A_865, %max3A_867 : vector<256x15xf32>
    %add3A_869 = arith.constant 9.99999996E-13 : f32
    %add3A_870 = vector.broadcast %add3A_869 : f32 to vector<256x15xf32>
    %add3A_871 = arith.addf %max3A_868, %add3A_870 : vector<256x15xf32>
    %sqrt3A_872 = math.sqrt %add3A_871 : vector<256x15xf32>
    %div3A_873 = arith.constant 8.000000e-02 : f32
    %div3A_874 = vector.broadcast %div3A_873 : f32 to vector<256x15xf32>
    %div3A_875 = arith.divf %sqrt3A_872, %div3A_874 : vector<256x15xf32>
    %sub3A_876 = arith.constant 1.000000e+00 : f32
    %sub3A_877 = vector.broadcast %sub3A_876 : f32 to vector<256x15xf32>
    %sub3A_878 = arith.subf %sub3A_877, %div3A_875 : vector<256x15xf32>
    %max3A_879 = arith.constant 0.000000e+00 : f32
    %max3A_880 = vector.broadcast %max3A_879 : f32 to vector<256x15xf32>
    %max3A_881 = arith.maximumf %sub3A_878, %max3A_880 : vector<256x15xf32>
    %slice3A_882 = vector.extract_strided_slice %max3A_881 {offsets = [0, 0], sizes = [256, 1], strides = [1, 1]} : vector<256x15xf32> to vector<256x1xf32>
    %mul3A_883 = vector.broadcast %slice3A_882 : vector<256x1xf32> to vector<256x32xf32>
    %mul3A_884 = arith.mulf %mul3A_883, %get3A_853 : vector<256x32xf32>
    %add3A_885 = arith.addf %add3A_794, %mul3A_884 : vector<256x32xf32>
    %slice3A_886 = vector.extract_strided_slice %max3A_881 {offsets = [0, 1], sizes = [256, 1], strides = [1, 1]} : vector<256x15xf32> to vector<256x1xf32>
    %mul3A_887 = vector.broadcast %slice3A_886 : vector<256x1xf32> to vector<256x32xf32>
    %mul3A_888 = arith.mulf %mul3A_887, %get3A_853 : vector<256x32xf32>
    %add3A_889 = arith.addf %add3A_798, %mul3A_888 : vector<256x32xf32>
    %slice3A_890 = vector.extract_strided_slice %max3A_881 {offsets = [0, 2], sizes = [256, 1], strides = [1, 1]} : vector<256x15xf32> to vector<256x1xf32>
    %mul3A_891 = vector.broadcast %slice3A_890 : vector<256x1xf32> to vector<256x32xf32>
    %mul3A_892 = arith.mulf %mul3A_891, %get3A_853 : vector<256x32xf32>
    %add3A_893 = arith.addf %add3A_802, %mul3A_892 : vector<256x32xf32>
    %slice3A_894 = vector.extract_strided_slice %max3A_881 {offsets = [0, 3], sizes = [256, 1], strides = [1, 1]} : vector<256x15xf32> to vector<256x1xf32>
    %mul3A_895 = vector.broadcast %slice3A_894 : vector<256x1xf32> to vector<256x32xf32>
    %mul3A_896 = arith.mulf %mul3A_895, %get3A_853 : vector<256x32xf32>
    %add3A_897 = arith.addf %add3A_806, %mul3A_896 : vector<256x32xf32>
    %slice3A_898 = vector.extract_strided_slice %max3A_881 {offsets = [0, 4], sizes = [256, 1], strides = [1, 1]} : vector<256x15xf32> to vector<256x1xf32>
    %mul3A_899 = vector.broadcast %slice3A_898 : vector<256x1xf32> to vector<256x32xf32>
    %mul3A_900 = arith.mulf %mul3A_899, %get3A_853 : vector<256x32xf32>
    %add3A_901 = arith.addf %add3A_810, %mul3A_900 : vector<256x32xf32>
    %slice3A_902 = vector.extract_strided_slice %max3A_881 {offsets = [0, 5], sizes = [256, 1], strides = [1, 1]} : vector<256x15xf32> to vector<256x1xf32>
    %mul3A_903 = vector.broadcast %slice3A_902 : vector<256x1xf32> to vector<256x32xf32>
    %mul3A_904 = arith.mulf %mul3A_903, %get3A_853 : vector<256x32xf32>
    %add3A_905 = arith.addf %add3A_814, %mul3A_904 : vector<256x32xf32>
    %slice3A_906 = vector.extract_strided_slice %max3A_881 {offsets = [0, 6], sizes = [256, 1], strides = [1, 1]} : vector<256x15xf32> to vector<256x1xf32>
    %mul3A_907 = vector.broadcast %slice3A_906 : vector<256x1xf32> to vector<256x32xf32>
    %mul3A_908 = arith.mulf %mul3A_907, %get3A_853 : vector<256x32xf32>
    %add3A_909 = arith.addf %add3A_818, %mul3A_908 : vector<256x32xf32>
    %slice3A_910 = vector.extract_strided_slice %max3A_881 {offsets = [0, 7], sizes = [256, 1], strides = [1, 1]} : vector<256x15xf32> to vector<256x1xf32>
    %mul3A_911 = vector.broadcast %slice3A_910 : vector<256x1xf32> to vector<256x32xf32>
    %mul3A_912 = arith.mulf %mul3A_911, %get3A_853 : vector<256x32xf32>
    %add3A_913 = arith.addf %add3A_822, %mul3A_912 : vector<256x32xf32>
    %slice3A_914 = vector.extract_strided_slice %max3A_881 {offsets = [0, 8], sizes = [256, 1], strides = [1, 1]} : vector<256x15xf32> to vector<256x1xf32>
    %mul3A_915 = vector.broadcast %slice3A_914 : vector<256x1xf32> to vector<256x32xf32>
    %mul3A_916 = arith.mulf %mul3A_915, %get3A_853 : vector<256x32xf32>
    %add3A_917 = arith.addf %add3A_826, %mul3A_916 : vector<256x32xf32>
    %slice3A_918 = vector.extract_strided_slice %max3A_881 {offsets = [0, 9], sizes = [256, 1], strides = [1, 1]} : vector<256x15xf32> to vector<256x1xf32>
    %mul3A_919 = vector.broadcast %slice3A_918 : vector<256x1xf32> to vector<256x32xf32>
    %mul3A_920 = arith.mulf %mul3A_919, %get3A_853 : vector<256x32xf32>
    %add3A_921 = arith.addf %add3A_830, %mul3A_920 : vector<256x32xf32>
    %slice3A_922 = vector.extract_strided_slice %max3A_881 {offsets = [0, 10], sizes = [256, 1], strides = [1, 1]} : vector<256x15xf32> to vector<256x1xf32>
    %mul3A_923 = vector.broadcast %slice3A_922 : vector<256x1xf32> to vector<256x32xf32>
    %mul3A_924 = arith.mulf %mul3A_923, %get3A_853 : vector<256x32xf32>
    %add3A_925 = arith.addf %add3A_834, %mul3A_924 : vector<256x32xf32>
    %slice3A_926 = vector.extract_strided_slice %max3A_881 {offsets = [0, 11], sizes = [256, 1], strides = [1, 1]} : vector<256x15xf32> to vector<256x1xf32>
    %mul3A_927 = vector.broadcast %slice3A_926 : vector<256x1xf32> to vector<256x32xf32>
    %mul3A_928 = arith.mulf %mul3A_927, %get3A_853 : vector<256x32xf32>
    %add3A_929 = arith.addf %add3A_838, %mul3A_928 : vector<256x32xf32>
    %slice3A_930 = vector.extract_strided_slice %max3A_881 {offsets = [0, 12], sizes = [256, 1], strides = [1, 1]} : vector<256x15xf32> to vector<256x1xf32>
    %mul3A_931 = vector.broadcast %slice3A_930 : vector<256x1xf32> to vector<256x32xf32>
    %mul3A_932 = arith.mulf %mul3A_931, %get3A_853 : vector<256x32xf32>
    %add3A_933 = arith.addf %add3A_842, %mul3A_932 : vector<256x32xf32>
    %slice3A_934 = vector.extract_strided_slice %max3A_881 {offsets = [0, 13], sizes = [256, 1], strides = [1, 1]} : vector<256x15xf32> to vector<256x1xf32>
    %mul3A_935 = vector.broadcast %slice3A_934 : vector<256x1xf32> to vector<256x32xf32>
    %mul3A_936 = arith.mulf %mul3A_935, %get3A_853 : vector<256x32xf32>
    %add3A_937 = arith.addf %add3A_846, %mul3A_936 : vector<256x32xf32>
    %slice3A_938 = vector.extract_strided_slice %max3A_881 {offsets = [0, 14], sizes = [256, 1], strides = [1, 1]} : vector<256x15xf32> to vector<256x1xf32>
    %mul3A_939 = vector.broadcast %slice3A_938 : vector<256x1xf32> to vector<256x32xf32>
    %mul3A_940 = arith.mulf %mul3A_939, %get3A_853 : vector<256x32xf32>
    %add3A_941 = arith.addf %add3A_850, %mul3A_940 : vector<256x32xf32>
    %get3A_942 = arith.constant 0 : index
    %get3A_943 = arith.constant 1280 : index
    %get3A_944 = vector.load %arg2[%get3A_942, %get3A_943] : memref<256x2048xf32, #tpu.memory_space<vmem>>, vector<256x32xf32>
    %get3A_945 = arith.constant 0 : index
    %get3A_946 = arith.constant 1312 : index
    %get3A_947 = vector.load %arg2[%get3A_945, %get3A_946] : memref<256x2048xf32, #tpu.memory_space<vmem>>, vector<256x15xf32>
    %get3A_948 = arith.constant 0 : index
    %get3A_949 = arith.constant 10 : index
    %get3A_950 = vector.load %arg3[%get3A_948, %get3A_949] : memref<256x16xf32, #tpu.memory_space<vmem>>, vector<256x1xf32>
    %mul3A_951 = arith.constant 2.000000e+00 : f32
    %mul3A_952 = vector.broadcast %mul3A_951 : f32 to vector<256x15xf32>
    %mul3A_953 = arith.mulf %mul3A_952, %get3A_947 : vector<256x15xf32>
    %sub3A_954 = vector.broadcast %get3A_950 : vector<256x1xf32> to vector<256x15xf32>
    %sub3A_955 = arith.subf %sub3A_954, %mul3A_953 : vector<256x15xf32>
    %add3A_956 = arith.addf %sub3A_955, %add3A_7 : vector<256x15xf32>
    %max3A_957 = arith.constant 0.000000e+00 : f32
    %max3A_958 = vector.broadcast %max3A_957 : f32 to vector<256x15xf32>
    %max3A_959 = arith.maximumf %add3A_956, %max3A_958 : vector<256x15xf32>
    %add3A_960 = arith.constant 9.99999996E-13 : f32
    %add3A_961 = vector.broadcast %add3A_960 : f32 to vector<256x15xf32>
    %add3A_962 = arith.addf %max3A_959, %add3A_961 : vector<256x15xf32>
    %sqrt3A_963 = math.sqrt %add3A_962 : vector<256x15xf32>
    %div3A_964 = arith.constant 8.000000e-02 : f32
    %div3A_965 = vector.broadcast %div3A_964 : f32 to vector<256x15xf32>
    %div3A_966 = arith.divf %sqrt3A_963, %div3A_965 : vector<256x15xf32>
    %sub3A_967 = arith.constant 1.000000e+00 : f32
    %sub3A_968 = vector.broadcast %sub3A_967 : f32 to vector<256x15xf32>
    %sub3A_969 = arith.subf %sub3A_968, %div3A_966 : vector<256x15xf32>
    %max3A_970 = arith.constant 0.000000e+00 : f32
    %max3A_971 = vector.broadcast %max3A_970 : f32 to vector<256x15xf32>
    %max3A_972 = arith.maximumf %sub3A_969, %max3A_971 : vector<256x15xf32>
    %slice3A_973 = vector.extract_strided_slice %max3A_972 {offsets = [0, 0], sizes = [256, 1], strides = [1, 1]} : vector<256x15xf32> to vector<256x1xf32>
    %mul3A_974 = vector.broadcast %slice3A_973 : vector<256x1xf32> to vector<256x32xf32>
    %mul3A_975 = arith.mulf %mul3A_974, %get3A_944 : vector<256x32xf32>
    %add3A_976 = arith.addf %add3A_885, %mul3A_975 : vector<256x32xf32>
    %slice3A_977 = vector.extract_strided_slice %max3A_972 {offsets = [0, 1], sizes = [256, 1], strides = [1, 1]} : vector<256x15xf32> to vector<256x1xf32>
    %mul3A_978 = vector.broadcast %slice3A_977 : vector<256x1xf32> to vector<256x32xf32>
    %mul3A_979 = arith.mulf %mul3A_978, %get3A_944 : vector<256x32xf32>
    %add3A_980 = arith.addf %add3A_889, %mul3A_979 : vector<256x32xf32>
    %slice3A_981 = vector.extract_strided_slice %max3A_972 {offsets = [0, 2], sizes = [256, 1], strides = [1, 1]} : vector<256x15xf32> to vector<256x1xf32>
    %mul3A_982 = vector.broadcast %slice3A_981 : vector<256x1xf32> to vector<256x32xf32>
    %mul3A_983 = arith.mulf %mul3A_982, %get3A_944 : vector<256x32xf32>
    %add3A_984 = arith.addf %add3A_893, %mul3A_983 : vector<256x32xf32>
    %slice3A_985 = vector.extract_strided_slice %max3A_972 {offsets = [0, 3], sizes = [256, 1], strides = [1, 1]} : vector<256x15xf32> to vector<256x1xf32>
    %mul3A_986 = vector.broadcast %slice3A_985 : vector<256x1xf32> to vector<256x32xf32>
    %mul3A_987 = arith.mulf %mul3A_986, %get3A_944 : vector<256x32xf32>
    %add3A_988 = arith.addf %add3A_897, %mul3A_987 : vector<256x32xf32>
    %slice3A_989 = vector.extract_strided_slice %max3A_972 {offsets = [0, 4], sizes = [256, 1], strides = [1, 1]} : vector<256x15xf32> to vector<256x1xf32>
    %mul3A_990 = vector.broadcast %slice3A_989 : vector<256x1xf32> to vector<256x32xf32>
    %mul3A_991 = arith.mulf %mul3A_990, %get3A_944 : vector<256x32xf32>
    %add3A_992 = arith.addf %add3A_901, %mul3A_991 : vector<256x32xf32>
    %slice3A_993 = vector.extract_strided_slice %max3A_972 {offsets = [0, 5], sizes = [256, 1], strides = [1, 1]} : vector<256x15xf32> to vector<256x1xf32>
    %mul3A_994 = vector.broadcast %slice3A_993 : vector<256x1xf32> to vector<256x32xf32>
    %mul3A_995 = arith.mulf %mul3A_994, %get3A_944 : vector<256x32xf32>
    %add3A_996 = arith.addf %add3A_905, %mul3A_995 : vector<256x32xf32>
    %slice3A_997 = vector.extract_strided_slice %max3A_972 {offsets = [0, 6], sizes = [256, 1], strides = [1, 1]} : vector<256x15xf32> to vector<256x1xf32>
    %mul3A_998 = vector.broadcast %slice3A_997 : vector<256x1xf32> to vector<256x32xf32>
    %mul3A_999 = arith.mulf %mul3A_998, %get3A_944 : vector<256x32xf32>
    %add3A_1000 = arith.addf %add3A_909, %mul3A_999 : vector<256x32xf32>
    %slice3A_1001 = vector.extract_strided_slice %max3A_972 {offsets = [0, 7], sizes = [256, 1], strides = [1, 1]} : vector<256x15xf32> to vector<256x1xf32>
    %mul3A_1002 = vector.broadcast %slice3A_1001 : vector<256x1xf32> to vector<256x32xf32>
    %mul3A_1003 = arith.mulf %mul3A_1002, %get3A_944 : vector<256x32xf32>
    %add3A_1004 = arith.addf %add3A_913, %mul3A_1003 : vector<256x32xf32>
    %slice3A_1005 = vector.extract_strided_slice %max3A_972 {offsets = [0, 8], sizes = [256, 1], strides = [1, 1]} : vector<256x15xf32> to vector<256x1xf32>
    %mul3A_1006 = vector.broadcast %slice3A_1005 : vector<256x1xf32> to vector<256x32xf32>
    %mul3A_1007 = arith.mulf %mul3A_1006, %get3A_944 : vector<256x32xf32>
    %add3A_1008 = arith.addf %add3A_917, %mul3A_1007 : vector<256x32xf32>
    %slice3A_1009 = vector.extract_strided_slice %max3A_972 {offsets = [0, 9], sizes = [256, 1], strides = [1, 1]} : vector<256x15xf32> to vector<256x1xf32>
    %mul3A_1010 = vector.broadcast %slice3A_1009 : vector<256x1xf32> to vector<256x32xf32>
    %mul3A_1011 = arith.mulf %mul3A_1010, %get3A_944 : vector<256x32xf32>
    %add3A_1012 = arith.addf %add3A_921, %mul3A_1011 : vector<256x32xf32>
    %slice3A_1013 = vector.extract_strided_slice %max3A_972 {offsets = [0, 10], sizes = [256, 1], strides = [1, 1]} : vector<256x15xf32> to vector<256x1xf32>
    %mul3A_1014 = vector.broadcast %slice3A_1013 : vector<256x1xf32> to vector<256x32xf32>
    %mul3A_1015 = arith.mulf %mul3A_1014, %get3A_944 : vector<256x32xf32>
    %add3A_1016 = arith.addf %add3A_925, %mul3A_1015 : vector<256x32xf32>
    %slice3A_1017 = vector.extract_strided_slice %max3A_972 {offsets = [0, 11], sizes = [256, 1], strides = [1, 1]} : vector<256x15xf32> to vector<256x1xf32>
    %mul3A_1018 = vector.broadcast %slice3A_1017 : vector<256x1xf32> to vector<256x32xf32>
    %mul3A_1019 = arith.mulf %mul3A_1018, %get3A_944 : vector<256x32xf32>
    %add3A_1020 = arith.addf %add3A_929, %mul3A_1019 : vector<256x32xf32>
    %slice3A_1021 = vector.extract_strided_slice %max3A_972 {offsets = [0, 12], sizes = [256, 1], strides = [1, 1]} : vector<256x15xf32> to vector<256x1xf32>
    %mul3A_1022 = vector.broadcast %slice3A_1021 : vector<256x1xf32> to vector<256x32xf32>
    %mul3A_1023 = arith.mulf %mul3A_1022, %get3A_944 : vector<256x32xf32>
    %add3A_1024 = arith.addf %add3A_933, %mul3A_1023 : vector<256x32xf32>
    %slice3A_1025 = vector.extract_strided_slice %max3A_972 {offsets = [0, 13], sizes = [256, 1], strides = [1, 1]} : vector<256x15xf32> to vector<256x1xf32>
    %mul3A_1026 = vector.broadcast %slice3A_1025 : vector<256x1xf32> to vector<256x32xf32>
    %mul3A_1027 = arith.mulf %mul3A_1026, %get3A_944 : vector<256x32xf32>
    %add3A_1028 = arith.addf %add3A_937, %mul3A_1027 : vector<256x32xf32>
    %slice3A_1029 = vector.extract_strided_slice %max3A_972 {offsets = [0, 14], sizes = [256, 1], strides = [1, 1]} : vector<256x15xf32> to vector<256x1xf32>
    %mul3A_1030 = vector.broadcast %slice3A_1029 : vector<256x1xf32> to vector<256x32xf32>
    %mul3A_1031 = arith.mulf %mul3A_1030, %get3A_944 : vector<256x32xf32>
    %add3A_1032 = arith.addf %add3A_941, %mul3A_1031 : vector<256x32xf32>
    %get3A_1033 = arith.constant 0 : index
    %get3A_1034 = arith.constant 1408 : index
    %get3A_1035 = vector.load %arg2[%get3A_1033, %get3A_1034] : memref<256x2048xf32, #tpu.memory_space<vmem>>, vector<256x32xf32>
    %get3A_1036 = arith.constant 0 : index
    %get3A_1037 = arith.constant 1440 : index
    %get3A_1038 = vector.load %arg2[%get3A_1036, %get3A_1037] : memref<256x2048xf32, #tpu.memory_space<vmem>>, vector<256x15xf32>
    %get3A_1039 = arith.constant 0 : index
    %get3A_1040 = arith.constant 11 : index
    %get3A_1041 = vector.load %arg3[%get3A_1039, %get3A_1040] : memref<256x16xf32, #tpu.memory_space<vmem>>, vector<256x1xf32>
    %mul3A_1042 = arith.constant 2.000000e+00 : f32
    %mul3A_1043 = vector.broadcast %mul3A_1042 : f32 to vector<256x15xf32>
    %mul3A_1044 = arith.mulf %mul3A_1043, %get3A_1038 : vector<256x15xf32>
    %sub3A_1045 = vector.broadcast %get3A_1041 : vector<256x1xf32> to vector<256x15xf32>
    %sub3A_1046 = arith.subf %sub3A_1045, %mul3A_1044 : vector<256x15xf32>
    %add3A_1047 = arith.addf %sub3A_1046, %add3A_7 : vector<256x15xf32>
    %max3A_1048 = arith.constant 0.000000e+00 : f32
    %max3A_1049 = vector.broadcast %max3A_1048 : f32 to vector<256x15xf32>
    %max3A_1050 = arith.maximumf %add3A_1047, %max3A_1049 : vector<256x15xf32>
    %add3A_1051 = arith.constant 9.99999996E-13 : f32
    %add3A_1052 = vector.broadcast %add3A_1051 : f32 to vector<256x15xf32>
    %add3A_1053 = arith.addf %max3A_1050, %add3A_1052 : vector<256x15xf32>
    %sqrt3A_1054 = math.sqrt %add3A_1053 : vector<256x15xf32>
    %div3A_1055 = arith.constant 8.000000e-02 : f32
    %div3A_1056 = vector.broadcast %div3A_1055 : f32 to vector<256x15xf32>
    %div3A_1057 = arith.divf %sqrt3A_1054, %div3A_1056 : vector<256x15xf32>
    %sub3A_1058 = arith.constant 1.000000e+00 : f32
    %sub3A_1059 = vector.broadcast %sub3A_1058 : f32 to vector<256x15xf32>
    %sub3A_1060 = arith.subf %sub3A_1059, %div3A_1057 : vector<256x15xf32>
    %max3A_1061 = arith.constant 0.000000e+00 : f32
    %max3A_1062 = vector.broadcast %max3A_1061 : f32 to vector<256x15xf32>
    %max3A_1063 = arith.maximumf %sub3A_1060, %max3A_1062 : vector<256x15xf32>
    %slice3A_1064 = vector.extract_strided_slice %max3A_1063 {offsets = [0, 0], sizes = [256, 1], strides = [1, 1]} : vector<256x15xf32> to vector<256x1xf32>
    %mul3A_1065 = vector.broadcast %slice3A_1064 : vector<256x1xf32> to vector<256x32xf32>
    %mul3A_1066 = arith.mulf %mul3A_1065, %get3A_1035 : vector<256x32xf32>
    %add3A_1067 = arith.addf %add3A_976, %mul3A_1066 : vector<256x32xf32>
    %slice3A_1068 = vector.extract_strided_slice %max3A_1063 {offsets = [0, 1], sizes = [256, 1], strides = [1, 1]} : vector<256x15xf32> to vector<256x1xf32>
    %mul3A_1069 = vector.broadcast %slice3A_1068 : vector<256x1xf32> to vector<256x32xf32>
    %mul3A_1070 = arith.mulf %mul3A_1069, %get3A_1035 : vector<256x32xf32>
    %add3A_1071 = arith.addf %add3A_980, %mul3A_1070 : vector<256x32xf32>
    %slice3A_1072 = vector.extract_strided_slice %max3A_1063 {offsets = [0, 2], sizes = [256, 1], strides = [1, 1]} : vector<256x15xf32> to vector<256x1xf32>
    %mul3A_1073 = vector.broadcast %slice3A_1072 : vector<256x1xf32> to vector<256x32xf32>
    %mul3A_1074 = arith.mulf %mul3A_1073, %get3A_1035 : vector<256x32xf32>
    %add3A_1075 = arith.addf %add3A_984, %mul3A_1074 : vector<256x32xf32>
    %slice3A_1076 = vector.extract_strided_slice %max3A_1063 {offsets = [0, 3], sizes = [256, 1], strides = [1, 1]} : vector<256x15xf32> to vector<256x1xf32>
    %mul3A_1077 = vector.broadcast %slice3A_1076 : vector<256x1xf32> to vector<256x32xf32>
    %mul3A_1078 = arith.mulf %mul3A_1077, %get3A_1035 : vector<256x32xf32>
    %add3A_1079 = arith.addf %add3A_988, %mul3A_1078 : vector<256x32xf32>
    %slice3A_1080 = vector.extract_strided_slice %max3A_1063 {offsets = [0, 4], sizes = [256, 1], strides = [1, 1]} : vector<256x15xf32> to vector<256x1xf32>
    %mul3A_1081 = vector.broadcast %slice3A_1080 : vector<256x1xf32> to vector<256x32xf32>
    %mul3A_1082 = arith.mulf %mul3A_1081, %get3A_1035 : vector<256x32xf32>
    %add3A_1083 = arith.addf %add3A_992, %mul3A_1082 : vector<256x32xf32>
    %slice3A_1084 = vector.extract_strided_slice %max3A_1063 {offsets = [0, 5], sizes = [256, 1], strides = [1, 1]} : vector<256x15xf32> to vector<256x1xf32>
    %mul3A_1085 = vector.broadcast %slice3A_1084 : vector<256x1xf32> to vector<256x32xf32>
    %mul3A_1086 = arith.mulf %mul3A_1085, %get3A_1035 : vector<256x32xf32>
    %add3A_1087 = arith.addf %add3A_996, %mul3A_1086 : vector<256x32xf32>
    %slice3A_1088 = vector.extract_strided_slice %max3A_1063 {offsets = [0, 6], sizes = [256, 1], strides = [1, 1]} : vector<256x15xf32> to vector<256x1xf32>
    %mul3A_1089 = vector.broadcast %slice3A_1088 : vector<256x1xf32> to vector<256x32xf32>
    %mul3A_1090 = arith.mulf %mul3A_1089, %get3A_1035 : vector<256x32xf32>
    %add3A_1091 = arith.addf %add3A_1000, %mul3A_1090 : vector<256x32xf32>
    %slice3A_1092 = vector.extract_strided_slice %max3A_1063 {offsets = [0, 7], sizes = [256, 1], strides = [1, 1]} : vector<256x15xf32> to vector<256x1xf32>
    %mul3A_1093 = vector.broadcast %slice3A_1092 : vector<256x1xf32> to vector<256x32xf32>
    %mul3A_1094 = arith.mulf %mul3A_1093, %get3A_1035 : vector<256x32xf32>
    %add3A_1095 = arith.addf %add3A_1004, %mul3A_1094 : vector<256x32xf32>
    %slice3A_1096 = vector.extract_strided_slice %max3A_1063 {offsets = [0, 8], sizes = [256, 1], strides = [1, 1]} : vector<256x15xf32> to vector<256x1xf32>
    %mul3A_1097 = vector.broadcast %slice3A_1096 : vector<256x1xf32> to vector<256x32xf32>
    %mul3A_1098 = arith.mulf %mul3A_1097, %get3A_1035 : vector<256x32xf32>
    %add3A_1099 = arith.addf %add3A_1008, %mul3A_1098 : vector<256x32xf32>
    %slice3A_1100 = vector.extract_strided_slice %max3A_1063 {offsets = [0, 9], sizes = [256, 1], strides = [1, 1]} : vector<256x15xf32> to vector<256x1xf32>
    %mul3A_1101 = vector.broadcast %slice3A_1100 : vector<256x1xf32> to vector<256x32xf32>
    %mul3A_1102 = arith.mulf %mul3A_1101, %get3A_1035 : vector<256x32xf32>
    %add3A_1103 = arith.addf %add3A_1012, %mul3A_1102 : vector<256x32xf32>
    %slice3A_1104 = vector.extract_strided_slice %max3A_1063 {offsets = [0, 10], sizes = [256, 1], strides = [1, 1]} : vector<256x15xf32> to vector<256x1xf32>
    %mul3A_1105 = vector.broadcast %slice3A_1104 : vector<256x1xf32> to vector<256x32xf32>
    %mul3A_1106 = arith.mulf %mul3A_1105, %get3A_1035 : vector<256x32xf32>
    %add3A_1107 = arith.addf %add3A_1016, %mul3A_1106 : vector<256x32xf32>
    %slice3A_1108 = vector.extract_strided_slice %max3A_1063 {offsets = [0, 11], sizes = [256, 1], strides = [1, 1]} : vector<256x15xf32> to vector<256x1xf32>
    %mul3A_1109 = vector.broadcast %slice3A_1108 : vector<256x1xf32> to vector<256x32xf32>
    %mul3A_1110 = arith.mulf %mul3A_1109, %get3A_1035 : vector<256x32xf32>
    %add3A_1111 = arith.addf %add3A_1020, %mul3A_1110 : vector<256x32xf32>
    %slice3A_1112 = vector.extract_strided_slice %max3A_1063 {offsets = [0, 12], sizes = [256, 1], strides = [1, 1]} : vector<256x15xf32> to vector<256x1xf32>
    %mul3A_1113 = vector.broadcast %slice3A_1112 : vector<256x1xf32> to vector<256x32xf32>
    %mul3A_1114 = arith.mulf %mul3A_1113, %get3A_1035 : vector<256x32xf32>
    %add3A_1115 = arith.addf %add3A_1024, %mul3A_1114 : vector<256x32xf32>
    %slice3A_1116 = vector.extract_strided_slice %max3A_1063 {offsets = [0, 13], sizes = [256, 1], strides = [1, 1]} : vector<256x15xf32> to vector<256x1xf32>
    %mul3A_1117 = vector.broadcast %slice3A_1116 : vector<256x1xf32> to vector<256x32xf32>
    %mul3A_1118 = arith.mulf %mul3A_1117, %get3A_1035 : vector<256x32xf32>
    %add3A_1119 = arith.addf %add3A_1028, %mul3A_1118 : vector<256x32xf32>
    %slice3A_1120 = vector.extract_strided_slice %max3A_1063 {offsets = [0, 14], sizes = [256, 1], strides = [1, 1]} : vector<256x15xf32> to vector<256x1xf32>
    %mul3A_1121 = vector.broadcast %slice3A_1120 : vector<256x1xf32> to vector<256x32xf32>
    %mul3A_1122 = arith.mulf %mul3A_1121, %get3A_1035 : vector<256x32xf32>
    %add3A_1123 = arith.addf %add3A_1032, %mul3A_1122 : vector<256x32xf32>
    %get3A_1124 = arith.constant 0 : index
    %get3A_1125 = arith.constant 1536 : index
    %get3A_1126 = vector.load %arg2[%get3A_1124, %get3A_1125] : memref<256x2048xf32, #tpu.memory_space<vmem>>, vector<256x32xf32>
    %get3A_1127 = arith.constant 0 : index
    %get3A_1128 = arith.constant 1568 : index
    %get3A_1129 = vector.load %arg2[%get3A_1127, %get3A_1128] : memref<256x2048xf32, #tpu.memory_space<vmem>>, vector<256x15xf32>
    %get3A_1130 = arith.constant 0 : index
    %get3A_1131 = arith.constant 12 : index
    %get3A_1132 = vector.load %arg3[%get3A_1130, %get3A_1131] : memref<256x16xf32, #tpu.memory_space<vmem>>, vector<256x1xf32>
    %mul3A_1133 = arith.constant 2.000000e+00 : f32
    %mul3A_1134 = vector.broadcast %mul3A_1133 : f32 to vector<256x15xf32>
    %mul3A_1135 = arith.mulf %mul3A_1134, %get3A_1129 : vector<256x15xf32>
    %sub3A_1136 = vector.broadcast %get3A_1132 : vector<256x1xf32> to vector<256x15xf32>
    %sub3A_1137 = arith.subf %sub3A_1136, %mul3A_1135 : vector<256x15xf32>
    %add3A_1138 = arith.addf %sub3A_1137, %add3A_7 : vector<256x15xf32>
    %max3A_1139 = arith.constant 0.000000e+00 : f32
    %max3A_1140 = vector.broadcast %max3A_1139 : f32 to vector<256x15xf32>
    %max3A_1141 = arith.maximumf %add3A_1138, %max3A_1140 : vector<256x15xf32>
    %add3A_1142 = arith.constant 9.99999996E-13 : f32
    %add3A_1143 = vector.broadcast %add3A_1142 : f32 to vector<256x15xf32>
    %add3A_1144 = arith.addf %max3A_1141, %add3A_1143 : vector<256x15xf32>
    %sqrt3A_1145 = math.sqrt %add3A_1144 : vector<256x15xf32>
    %div3A_1146 = arith.constant 8.000000e-02 : f32
    %div3A_1147 = vector.broadcast %div3A_1146 : f32 to vector<256x15xf32>
    %div3A_1148 = arith.divf %sqrt3A_1145, %div3A_1147 : vector<256x15xf32>
    %sub3A_1149 = arith.constant 1.000000e+00 : f32
    %sub3A_1150 = vector.broadcast %sub3A_1149 : f32 to vector<256x15xf32>
    %sub3A_1151 = arith.subf %sub3A_1150, %div3A_1148 : vector<256x15xf32>
    %max3A_1152 = arith.constant 0.000000e+00 : f32
    %max3A_1153 = vector.broadcast %max3A_1152 : f32 to vector<256x15xf32>
    %max3A_1154 = arith.maximumf %sub3A_1151, %max3A_1153 : vector<256x15xf32>
    %slice3A_1155 = vector.extract_strided_slice %max3A_1154 {offsets = [0, 0], sizes = [256, 1], strides = [1, 1]} : vector<256x15xf32> to vector<256x1xf32>
    %mul3A_1156 = vector.broadcast %slice3A_1155 : vector<256x1xf32> to vector<256x32xf32>
    %mul3A_1157 = arith.mulf %mul3A_1156, %get3A_1126 : vector<256x32xf32>
    %add3A_1158 = arith.addf %add3A_1067, %mul3A_1157 : vector<256x32xf32>
    %slice3A_1159 = vector.extract_strided_slice %max3A_1154 {offsets = [0, 1], sizes = [256, 1], strides = [1, 1]} : vector<256x15xf32> to vector<256x1xf32>
    %mul3A_1160 = vector.broadcast %slice3A_1159 : vector<256x1xf32> to vector<256x32xf32>
    %mul3A_1161 = arith.mulf %mul3A_1160, %get3A_1126 : vector<256x32xf32>
    %add3A_1162 = arith.addf %add3A_1071, %mul3A_1161 : vector<256x32xf32>
    %slice3A_1163 = vector.extract_strided_slice %max3A_1154 {offsets = [0, 2], sizes = [256, 1], strides = [1, 1]} : vector<256x15xf32> to vector<256x1xf32>
    %mul3A_1164 = vector.broadcast %slice3A_1163 : vector<256x1xf32> to vector<256x32xf32>
    %mul3A_1165 = arith.mulf %mul3A_1164, %get3A_1126 : vector<256x32xf32>
    %add3A_1166 = arith.addf %add3A_1075, %mul3A_1165 : vector<256x32xf32>
    %slice3A_1167 = vector.extract_strided_slice %max3A_1154 {offsets = [0, 3], sizes = [256, 1], strides = [1, 1]} : vector<256x15xf32> to vector<256x1xf32>
    %mul3A_1168 = vector.broadcast %slice3A_1167 : vector<256x1xf32> to vector<256x32xf32>
    %mul3A_1169 = arith.mulf %mul3A_1168, %get3A_1126 : vector<256x32xf32>
    %add3A_1170 = arith.addf %add3A_1079, %mul3A_1169 : vector<256x32xf32>
    %slice3A_1171 = vector.extract_strided_slice %max3A_1154 {offsets = [0, 4], sizes = [256, 1], strides = [1, 1]} : vector<256x15xf32> to vector<256x1xf32>
    %mul3A_1172 = vector.broadcast %slice3A_1171 : vector<256x1xf32> to vector<256x32xf32>
    %mul3A_1173 = arith.mulf %mul3A_1172, %get3A_1126 : vector<256x32xf32>
    %add3A_1174 = arith.addf %add3A_1083, %mul3A_1173 : vector<256x32xf32>
    %slice3A_1175 = vector.extract_strided_slice %max3A_1154 {offsets = [0, 5], sizes = [256, 1], strides = [1, 1]} : vector<256x15xf32> to vector<256x1xf32>
    %mul3A_1176 = vector.broadcast %slice3A_1175 : vector<256x1xf32> to vector<256x32xf32>
    %mul3A_1177 = arith.mulf %mul3A_1176, %get3A_1126 : vector<256x32xf32>
    %add3A_1178 = arith.addf %add3A_1087, %mul3A_1177 : vector<256x32xf32>
    %slice3A_1179 = vector.extract_strided_slice %max3A_1154 {offsets = [0, 6], sizes = [256, 1], strides = [1, 1]} : vector<256x15xf32> to vector<256x1xf32>
    %mul3A_1180 = vector.broadcast %slice3A_1179 : vector<256x1xf32> to vector<256x32xf32>
    %mul3A_1181 = arith.mulf %mul3A_1180, %get3A_1126 : vector<256x32xf32>
    %add3A_1182 = arith.addf %add3A_1091, %mul3A_1181 : vector<256x32xf32>
    %slice3A_1183 = vector.extract_strided_slice %max3A_1154 {offsets = [0, 7], sizes = [256, 1], strides = [1, 1]} : vector<256x15xf32> to vector<256x1xf32>
    %mul3A_1184 = vector.broadcast %slice3A_1183 : vector<256x1xf32> to vector<256x32xf32>
    %mul3A_1185 = arith.mulf %mul3A_1184, %get3A_1126 : vector<256x32xf32>
    %add3A_1186 = arith.addf %add3A_1095, %mul3A_1185 : vector<256x32xf32>
    %slice3A_1187 = vector.extract_strided_slice %max3A_1154 {offsets = [0, 8], sizes = [256, 1], strides = [1, 1]} : vector<256x15xf32> to vector<256x1xf32>
    %mul3A_1188 = vector.broadcast %slice3A_1187 : vector<256x1xf32> to vector<256x32xf32>
    %mul3A_1189 = arith.mulf %mul3A_1188, %get3A_1126 : vector<256x32xf32>
    %add3A_1190 = arith.addf %add3A_1099, %mul3A_1189 : vector<256x32xf32>
    %slice3A_1191 = vector.extract_strided_slice %max3A_1154 {offsets = [0, 9], sizes = [256, 1], strides = [1, 1]} : vector<256x15xf32> to vector<256x1xf32>
    %mul3A_1192 = vector.broadcast %slice3A_1191 : vector<256x1xf32> to vector<256x32xf32>
    %mul3A_1193 = arith.mulf %mul3A_1192, %get3A_1126 : vector<256x32xf32>
    %add3A_1194 = arith.addf %add3A_1103, %mul3A_1193 : vector<256x32xf32>
    %slice3A_1195 = vector.extract_strided_slice %max3A_1154 {offsets = [0, 10], sizes = [256, 1], strides = [1, 1]} : vector<256x15xf32> to vector<256x1xf32>
    %mul3A_1196 = vector.broadcast %slice3A_1195 : vector<256x1xf32> to vector<256x32xf32>
    %mul3A_1197 = arith.mulf %mul3A_1196, %get3A_1126 : vector<256x32xf32>
    %add3A_1198 = arith.addf %add3A_1107, %mul3A_1197 : vector<256x32xf32>
    %slice3A_1199 = vector.extract_strided_slice %max3A_1154 {offsets = [0, 11], sizes = [256, 1], strides = [1, 1]} : vector<256x15xf32> to vector<256x1xf32>
    %mul3A_1200 = vector.broadcast %slice3A_1199 : vector<256x1xf32> to vector<256x32xf32>
    %mul3A_1201 = arith.mulf %mul3A_1200, %get3A_1126 : vector<256x32xf32>
    %add3A_1202 = arith.addf %add3A_1111, %mul3A_1201 : vector<256x32xf32>
    %slice3A_1203 = vector.extract_strided_slice %max3A_1154 {offsets = [0, 12], sizes = [256, 1], strides = [1, 1]} : vector<256x15xf32> to vector<256x1xf32>
    %mul3A_1204 = vector.broadcast %slice3A_1203 : vector<256x1xf32> to vector<256x32xf32>
    %mul3A_1205 = arith.mulf %mul3A_1204, %get3A_1126 : vector<256x32xf32>
    %add3A_1206 = arith.addf %add3A_1115, %mul3A_1205 : vector<256x32xf32>
    %slice3A_1207 = vector.extract_strided_slice %max3A_1154 {offsets = [0, 13], sizes = [256, 1], strides = [1, 1]} : vector<256x15xf32> to vector<256x1xf32>
    %mul3A_1208 = vector.broadcast %slice3A_1207 : vector<256x1xf32> to vector<256x32xf32>
    %mul3A_1209 = arith.mulf %mul3A_1208, %get3A_1126 : vector<256x32xf32>
    %add3A_1210 = arith.addf %add3A_1119, %mul3A_1209 : vector<256x32xf32>
    %slice3A_1211 = vector.extract_strided_slice %max3A_1154 {offsets = [0, 14], sizes = [256, 1], strides = [1, 1]} : vector<256x15xf32> to vector<256x1xf32>
    %mul3A_1212 = vector.broadcast %slice3A_1211 : vector<256x1xf32> to vector<256x32xf32>
    %mul3A_1213 = arith.mulf %mul3A_1212, %get3A_1126 : vector<256x32xf32>
    %add3A_1214 = arith.addf %add3A_1123, %mul3A_1213 : vector<256x32xf32>
    %get3A_1215 = arith.constant 0 : index
    %get3A_1216 = arith.constant 1664 : index
    %get3A_1217 = vector.load %arg2[%get3A_1215, %get3A_1216] : memref<256x2048xf32, #tpu.memory_space<vmem>>, vector<256x32xf32>
    %get3A_1218 = arith.constant 0 : index
    %get3A_1219 = arith.constant 1696 : index
    %get3A_1220 = vector.load %arg2[%get3A_1218, %get3A_1219] : memref<256x2048xf32, #tpu.memory_space<vmem>>, vector<256x15xf32>
    %get3A_1221 = arith.constant 0 : index
    %get3A_1222 = arith.constant 13 : index
    %get3A_1223 = vector.load %arg3[%get3A_1221, %get3A_1222] : memref<256x16xf32, #tpu.memory_space<vmem>>, vector<256x1xf32>
    %mul3A_1224 = arith.constant 2.000000e+00 : f32
    %mul3A_1225 = vector.broadcast %mul3A_1224 : f32 to vector<256x15xf32>
    %mul3A_1226 = arith.mulf %mul3A_1225, %get3A_1220 : vector<256x15xf32>
    %sub3A_1227 = vector.broadcast %get3A_1223 : vector<256x1xf32> to vector<256x15xf32>
    %sub3A_1228 = arith.subf %sub3A_1227, %mul3A_1226 : vector<256x15xf32>
    %add3A_1229 = arith.addf %sub3A_1228, %add3A_7 : vector<256x15xf32>
    %max3A_1230 = arith.constant 0.000000e+00 : f32
    %max3A_1231 = vector.broadcast %max3A_1230 : f32 to vector<256x15xf32>
    %max3A_1232 = arith.maximumf %add3A_1229, %max3A_1231 : vector<256x15xf32>
    %add3A_1233 = arith.constant 9.99999996E-13 : f32
    %add3A_1234 = vector.broadcast %add3A_1233 : f32 to vector<256x15xf32>
    %add3A_1235 = arith.addf %max3A_1232, %add3A_1234 : vector<256x15xf32>
    %sqrt3A_1236 = math.sqrt %add3A_1235 : vector<256x15xf32>
    %div3A_1237 = arith.constant 8.000000e-02 : f32
    %div3A_1238 = vector.broadcast %div3A_1237 : f32 to vector<256x15xf32>
    %div3A_1239 = arith.divf %sqrt3A_1236, %div3A_1238 : vector<256x15xf32>
    %sub3A_1240 = arith.constant 1.000000e+00 : f32
    %sub3A_1241 = vector.broadcast %sub3A_1240 : f32 to vector<256x15xf32>
    %sub3A_1242 = arith.subf %sub3A_1241, %div3A_1239 : vector<256x15xf32>
    %max3A_1243 = arith.constant 0.000000e+00 : f32
    %max3A_1244 = vector.broadcast %max3A_1243 : f32 to vector<256x15xf32>
    %max3A_1245 = arith.maximumf %sub3A_1242, %max3A_1244 : vector<256x15xf32>
    %slice3A_1246 = vector.extract_strided_slice %max3A_1245 {offsets = [0, 0], sizes = [256, 1], strides = [1, 1]} : vector<256x15xf32> to vector<256x1xf32>
    %mul3A_1247 = vector.broadcast %slice3A_1246 : vector<256x1xf32> to vector<256x32xf32>
    %mul3A_1248 = arith.mulf %mul3A_1247, %get3A_1217 : vector<256x32xf32>
    %add3A_1249 = arith.addf %add3A_1158, %mul3A_1248 : vector<256x32xf32>
    %slice3A_1250 = vector.extract_strided_slice %max3A_1245 {offsets = [0, 1], sizes = [256, 1], strides = [1, 1]} : vector<256x15xf32> to vector<256x1xf32>
    %mul3A_1251 = vector.broadcast %slice3A_1250 : vector<256x1xf32> to vector<256x32xf32>
    %mul3A_1252 = arith.mulf %mul3A_1251, %get3A_1217 : vector<256x32xf32>
    %add3A_1253 = arith.addf %add3A_1162, %mul3A_1252 : vector<256x32xf32>
    %slice3A_1254 = vector.extract_strided_slice %max3A_1245 {offsets = [0, 2], sizes = [256, 1], strides = [1, 1]} : vector<256x15xf32> to vector<256x1xf32>
    %mul3A_1255 = vector.broadcast %slice3A_1254 : vector<256x1xf32> to vector<256x32xf32>
    %mul3A_1256 = arith.mulf %mul3A_1255, %get3A_1217 : vector<256x32xf32>
    %add3A_1257 = arith.addf %add3A_1166, %mul3A_1256 : vector<256x32xf32>
    %slice3A_1258 = vector.extract_strided_slice %max3A_1245 {offsets = [0, 3], sizes = [256, 1], strides = [1, 1]} : vector<256x15xf32> to vector<256x1xf32>
    %mul3A_1259 = vector.broadcast %slice3A_1258 : vector<256x1xf32> to vector<256x32xf32>
    %mul3A_1260 = arith.mulf %mul3A_1259, %get3A_1217 : vector<256x32xf32>
    %add3A_1261 = arith.addf %add3A_1170, %mul3A_1260 : vector<256x32xf32>
    %slice3A_1262 = vector.extract_strided_slice %max3A_1245 {offsets = [0, 4], sizes = [256, 1], strides = [1, 1]} : vector<256x15xf32> to vector<256x1xf32>
    %mul3A_1263 = vector.broadcast %slice3A_1262 : vector<256x1xf32> to vector<256x32xf32>
    %mul3A_1264 = arith.mulf %mul3A_1263, %get3A_1217 : vector<256x32xf32>
    %add3A_1265 = arith.addf %add3A_1174, %mul3A_1264 : vector<256x32xf32>
    %slice3A_1266 = vector.extract_strided_slice %max3A_1245 {offsets = [0, 5], sizes = [256, 1], strides = [1, 1]} : vector<256x15xf32> to vector<256x1xf32>
    %mul3A_1267 = vector.broadcast %slice3A_1266 : vector<256x1xf32> to vector<256x32xf32>
    %mul3A_1268 = arith.mulf %mul3A_1267, %get3A_1217 : vector<256x32xf32>
    %add3A_1269 = arith.addf %add3A_1178, %mul3A_1268 : vector<256x32xf32>
    %slice3A_1270 = vector.extract_strided_slice %max3A_1245 {offsets = [0, 6], sizes = [256, 1], strides = [1, 1]} : vector<256x15xf32> to vector<256x1xf32>
    %mul3A_1271 = vector.broadcast %slice3A_1270 : vector<256x1xf32> to vector<256x32xf32>
    %mul3A_1272 = arith.mulf %mul3A_1271, %get3A_1217 : vector<256x32xf32>
    %add3A_1273 = arith.addf %add3A_1182, %mul3A_1272 : vector<256x32xf32>
    %slice3A_1274 = vector.extract_strided_slice %max3A_1245 {offsets = [0, 7], sizes = [256, 1], strides = [1, 1]} : vector<256x15xf32> to vector<256x1xf32>
    %mul3A_1275 = vector.broadcast %slice3A_1274 : vector<256x1xf32> to vector<256x32xf32>
    %mul3A_1276 = arith.mulf %mul3A_1275, %get3A_1217 : vector<256x32xf32>
    %add3A_1277 = arith.addf %add3A_1186, %mul3A_1276 : vector<256x32xf32>
    %slice3A_1278 = vector.extract_strided_slice %max3A_1245 {offsets = [0, 8], sizes = [256, 1], strides = [1, 1]} : vector<256x15xf32> to vector<256x1xf32>
    %mul3A_1279 = vector.broadcast %slice3A_1278 : vector<256x1xf32> to vector<256x32xf32>
    %mul3A_1280 = arith.mulf %mul3A_1279, %get3A_1217 : vector<256x32xf32>
    %add3A_1281 = arith.addf %add3A_1190, %mul3A_1280 : vector<256x32xf32>
    %slice3A_1282 = vector.extract_strided_slice %max3A_1245 {offsets = [0, 9], sizes = [256, 1], strides = [1, 1]} : vector<256x15xf32> to vector<256x1xf32>
    %mul3A_1283 = vector.broadcast %slice3A_1282 : vector<256x1xf32> to vector<256x32xf32>
    %mul3A_1284 = arith.mulf %mul3A_1283, %get3A_1217 : vector<256x32xf32>
    %add3A_1285 = arith.addf %add3A_1194, %mul3A_1284 : vector<256x32xf32>
    %slice3A_1286 = vector.extract_strided_slice %max3A_1245 {offsets = [0, 10], sizes = [256, 1], strides = [1, 1]} : vector<256x15xf32> to vector<256x1xf32>
    %mul3A_1287 = vector.broadcast %slice3A_1286 : vector<256x1xf32> to vector<256x32xf32>
    %mul3A_1288 = arith.mulf %mul3A_1287, %get3A_1217 : vector<256x32xf32>
    %add3A_1289 = arith.addf %add3A_1198, %mul3A_1288 : vector<256x32xf32>
    %slice3A_1290 = vector.extract_strided_slice %max3A_1245 {offsets = [0, 11], sizes = [256, 1], strides = [1, 1]} : vector<256x15xf32> to vector<256x1xf32>
    %mul3A_1291 = vector.broadcast %slice3A_1290 : vector<256x1xf32> to vector<256x32xf32>
    %mul3A_1292 = arith.mulf %mul3A_1291, %get3A_1217 : vector<256x32xf32>
    %add3A_1293 = arith.addf %add3A_1202, %mul3A_1292 : vector<256x32xf32>
    %slice3A_1294 = vector.extract_strided_slice %max3A_1245 {offsets = [0, 12], sizes = [256, 1], strides = [1, 1]} : vector<256x15xf32> to vector<256x1xf32>
    %mul3A_1295 = vector.broadcast %slice3A_1294 : vector<256x1xf32> to vector<256x32xf32>
    %mul3A_1296 = arith.mulf %mul3A_1295, %get3A_1217 : vector<256x32xf32>
    %add3A_1297 = arith.addf %add3A_1206, %mul3A_1296 : vector<256x32xf32>
    %slice3A_1298 = vector.extract_strided_slice %max3A_1245 {offsets = [0, 13], sizes = [256, 1], strides = [1, 1]} : vector<256x15xf32> to vector<256x1xf32>
    %mul3A_1299 = vector.broadcast %slice3A_1298 : vector<256x1xf32> to vector<256x32xf32>
    %mul3A_1300 = arith.mulf %mul3A_1299, %get3A_1217 : vector<256x32xf32>
    %add3A_1301 = arith.addf %add3A_1210, %mul3A_1300 : vector<256x32xf32>
    %slice3A_1302 = vector.extract_strided_slice %max3A_1245 {offsets = [0, 14], sizes = [256, 1], strides = [1, 1]} : vector<256x15xf32> to vector<256x1xf32>
    %mul3A_1303 = vector.broadcast %slice3A_1302 : vector<256x1xf32> to vector<256x32xf32>
    %mul3A_1304 = arith.mulf %mul3A_1303, %get3A_1217 : vector<256x32xf32>
    %add3A_1305 = arith.addf %add3A_1214, %mul3A_1304 : vector<256x32xf32>
    %get3A_1306 = arith.constant 0 : index
    %get3A_1307 = arith.constant 1792 : index
    %get3A_1308 = vector.load %arg2[%get3A_1306, %get3A_1307] : memref<256x2048xf32, #tpu.memory_space<vmem>>, vector<256x32xf32>
    %get3A_1309 = arith.constant 0 : index
    %get3A_1310 = arith.constant 1824 : index
    %get3A_1311 = vector.load %arg2[%get3A_1309, %get3A_1310] : memref<256x2048xf32, #tpu.memory_space<vmem>>, vector<256x15xf32>
    %get3A_1312 = arith.constant 0 : index
    %get3A_1313 = arith.constant 14 : index
    %get3A_1314 = vector.load %arg3[%get3A_1312, %get3A_1313] : memref<256x16xf32, #tpu.memory_space<vmem>>, vector<256x1xf32>
    %mul3A_1315 = arith.constant 2.000000e+00 : f32
    %mul3A_1316 = vector.broadcast %mul3A_1315 : f32 to vector<256x15xf32>
    %mul3A_1317 = arith.mulf %mul3A_1316, %get3A_1311 : vector<256x15xf32>
    %sub3A_1318 = vector.broadcast %get3A_1314 : vector<256x1xf32> to vector<256x15xf32>
    %sub3A_1319 = arith.subf %sub3A_1318, %mul3A_1317 : vector<256x15xf32>
    %add3A_1320 = arith.addf %sub3A_1319, %add3A_7 : vector<256x15xf32>
    %max3A_1321 = arith.constant 0.000000e+00 : f32
    %max3A_1322 = vector.broadcast %max3A_1321 : f32 to vector<256x15xf32>
    %max3A_1323 = arith.maximumf %add3A_1320, %max3A_1322 : vector<256x15xf32>
    %add3A_1324 = arith.constant 9.99999996E-13 : f32
    %add3A_1325 = vector.broadcast %add3A_1324 : f32 to vector<256x15xf32>
    %add3A_1326 = arith.addf %max3A_1323, %add3A_1325 : vector<256x15xf32>
    %sqrt3A_1327 = math.sqrt %add3A_1326 : vector<256x15xf32>
    %div3A_1328 = arith.constant 8.000000e-02 : f32
    %div3A_1329 = vector.broadcast %div3A_1328 : f32 to vector<256x15xf32>
    %div3A_1330 = arith.divf %sqrt3A_1327, %div3A_1329 : vector<256x15xf32>
    %sub3A_1331 = arith.constant 1.000000e+00 : f32
    %sub3A_1332 = vector.broadcast %sub3A_1331 : f32 to vector<256x15xf32>
    %sub3A_1333 = arith.subf %sub3A_1332, %div3A_1330 : vector<256x15xf32>
    %max3A_1334 = arith.constant 0.000000e+00 : f32
    %max3A_1335 = vector.broadcast %max3A_1334 : f32 to vector<256x15xf32>
    %max3A_1336 = arith.maximumf %sub3A_1333, %max3A_1335 : vector<256x15xf32>
    %slice3A_1337 = vector.extract_strided_slice %max3A_1336 {offsets = [0, 0], sizes = [256, 1], strides = [1, 1]} : vector<256x15xf32> to vector<256x1xf32>
    %mul3A_1338 = vector.broadcast %slice3A_1337 : vector<256x1xf32> to vector<256x32xf32>
    %mul3A_1339 = arith.mulf %mul3A_1338, %get3A_1308 : vector<256x32xf32>
    %add3A_1340 = arith.addf %add3A_1249, %mul3A_1339 : vector<256x32xf32>
    %slice3A_1341 = vector.extract_strided_slice %max3A_1336 {offsets = [0, 1], sizes = [256, 1], strides = [1, 1]} : vector<256x15xf32> to vector<256x1xf32>
    %mul3A_1342 = vector.broadcast %slice3A_1341 : vector<256x1xf32> to vector<256x32xf32>
    %mul3A_1343 = arith.mulf %mul3A_1342, %get3A_1308 : vector<256x32xf32>
    %add3A_1344 = arith.addf %add3A_1253, %mul3A_1343 : vector<256x32xf32>
    %slice3A_1345 = vector.extract_strided_slice %max3A_1336 {offsets = [0, 2], sizes = [256, 1], strides = [1, 1]} : vector<256x15xf32> to vector<256x1xf32>
    %mul3A_1346 = vector.broadcast %slice3A_1345 : vector<256x1xf32> to vector<256x32xf32>
    %mul3A_1347 = arith.mulf %mul3A_1346, %get3A_1308 : vector<256x32xf32>
    %add3A_1348 = arith.addf %add3A_1257, %mul3A_1347 : vector<256x32xf32>
    %slice3A_1349 = vector.extract_strided_slice %max3A_1336 {offsets = [0, 3], sizes = [256, 1], strides = [1, 1]} : vector<256x15xf32> to vector<256x1xf32>
    %mul3A_1350 = vector.broadcast %slice3A_1349 : vector<256x1xf32> to vector<256x32xf32>
    %mul3A_1351 = arith.mulf %mul3A_1350, %get3A_1308 : vector<256x32xf32>
    %add3A_1352 = arith.addf %add3A_1261, %mul3A_1351 : vector<256x32xf32>
    %slice3A_1353 = vector.extract_strided_slice %max3A_1336 {offsets = [0, 4], sizes = [256, 1], strides = [1, 1]} : vector<256x15xf32> to vector<256x1xf32>
    %mul3A_1354 = vector.broadcast %slice3A_1353 : vector<256x1xf32> to vector<256x32xf32>
    %mul3A_1355 = arith.mulf %mul3A_1354, %get3A_1308 : vector<256x32xf32>
    %add3A_1356 = arith.addf %add3A_1265, %mul3A_1355 : vector<256x32xf32>
    %slice3A_1357 = vector.extract_strided_slice %max3A_1336 {offsets = [0, 5], sizes = [256, 1], strides = [1, 1]} : vector<256x15xf32> to vector<256x1xf32>
    %mul3A_1358 = vector.broadcast %slice3A_1357 : vector<256x1xf32> to vector<256x32xf32>
    %mul3A_1359 = arith.mulf %mul3A_1358, %get3A_1308 : vector<256x32xf32>
    %add3A_1360 = arith.addf %add3A_1269, %mul3A_1359 : vector<256x32xf32>
    %slice3A_1361 = vector.extract_strided_slice %max3A_1336 {offsets = [0, 6], sizes = [256, 1], strides = [1, 1]} : vector<256x15xf32> to vector<256x1xf32>
    %mul3A_1362 = vector.broadcast %slice3A_1361 : vector<256x1xf32> to vector<256x32xf32>
    %mul3A_1363 = arith.mulf %mul3A_1362, %get3A_1308 : vector<256x32xf32>
    %add3A_1364 = arith.addf %add3A_1273, %mul3A_1363 : vector<256x32xf32>
    %slice3A_1365 = vector.extract_strided_slice %max3A_1336 {offsets = [0, 7], sizes = [256, 1], strides = [1, 1]} : vector<256x15xf32> to vector<256x1xf32>
    %mul3A_1366 = vector.broadcast %slice3A_1365 : vector<256x1xf32> to vector<256x32xf32>
    %mul3A_1367 = arith.mulf %mul3A_1366, %get3A_1308 : vector<256x32xf32>
    %add3A_1368 = arith.addf %add3A_1277, %mul3A_1367 : vector<256x32xf32>
    %slice3A_1369 = vector.extract_strided_slice %max3A_1336 {offsets = [0, 8], sizes = [256, 1], strides = [1, 1]} : vector<256x15xf32> to vector<256x1xf32>
    %mul3A_1370 = vector.broadcast %slice3A_1369 : vector<256x1xf32> to vector<256x32xf32>
    %mul3A_1371 = arith.mulf %mul3A_1370, %get3A_1308 : vector<256x32xf32>
    %add3A_1372 = arith.addf %add3A_1281, %mul3A_1371 : vector<256x32xf32>
    %slice3A_1373 = vector.extract_strided_slice %max3A_1336 {offsets = [0, 9], sizes = [256, 1], strides = [1, 1]} : vector<256x15xf32> to vector<256x1xf32>
    %mul3A_1374 = vector.broadcast %slice3A_1373 : vector<256x1xf32> to vector<256x32xf32>
    %mul3A_1375 = arith.mulf %mul3A_1374, %get3A_1308 : vector<256x32xf32>
    %add3A_1376 = arith.addf %add3A_1285, %mul3A_1375 : vector<256x32xf32>
    %slice3A_1377 = vector.extract_strided_slice %max3A_1336 {offsets = [0, 10], sizes = [256, 1], strides = [1, 1]} : vector<256x15xf32> to vector<256x1xf32>
    %mul3A_1378 = vector.broadcast %slice3A_1377 : vector<256x1xf32> to vector<256x32xf32>
    %mul3A_1379 = arith.mulf %mul3A_1378, %get3A_1308 : vector<256x32xf32>
    %add3A_1380 = arith.addf %add3A_1289, %mul3A_1379 : vector<256x32xf32>
    %slice3A_1381 = vector.extract_strided_slice %max3A_1336 {offsets = [0, 11], sizes = [256, 1], strides = [1, 1]} : vector<256x15xf32> to vector<256x1xf32>
    %mul3A_1382 = vector.broadcast %slice3A_1381 : vector<256x1xf32> to vector<256x32xf32>
    %mul3A_1383 = arith.mulf %mul3A_1382, %get3A_1308 : vector<256x32xf32>
    %add3A_1384 = arith.addf %add3A_1293, %mul3A_1383 : vector<256x32xf32>
    %slice3A_1385 = vector.extract_strided_slice %max3A_1336 {offsets = [0, 12], sizes = [256, 1], strides = [1, 1]} : vector<256x15xf32> to vector<256x1xf32>
    %mul3A_1386 = vector.broadcast %slice3A_1385 : vector<256x1xf32> to vector<256x32xf32>
    %mul3A_1387 = arith.mulf %mul3A_1386, %get3A_1308 : vector<256x32xf32>
    %add3A_1388 = arith.addf %add3A_1297, %mul3A_1387 : vector<256x32xf32>
    %slice3A_1389 = vector.extract_strided_slice %max3A_1336 {offsets = [0, 13], sizes = [256, 1], strides = [1, 1]} : vector<256x15xf32> to vector<256x1xf32>
    %mul3A_1390 = vector.broadcast %slice3A_1389 : vector<256x1xf32> to vector<256x32xf32>
    %mul3A_1391 = arith.mulf %mul3A_1390, %get3A_1308 : vector<256x32xf32>
    %add3A_1392 = arith.addf %add3A_1301, %mul3A_1391 : vector<256x32xf32>
    %slice3A_1393 = vector.extract_strided_slice %max3A_1336 {offsets = [0, 14], sizes = [256, 1], strides = [1, 1]} : vector<256x15xf32> to vector<256x1xf32>
    %mul3A_1394 = vector.broadcast %slice3A_1393 : vector<256x1xf32> to vector<256x32xf32>
    %mul3A_1395 = arith.mulf %mul3A_1394, %get3A_1308 : vector<256x32xf32>
    %add3A_1396 = arith.addf %add3A_1305, %mul3A_1395 : vector<256x32xf32>
    %get3A_1397 = arith.constant 0 : index
    %get3A_1398 = arith.constant 1920 : index
    %get3A_1399 = vector.load %arg2[%get3A_1397, %get3A_1398] : memref<256x2048xf32, #tpu.memory_space<vmem>>, vector<256x32xf32>
    %get3A_1400 = arith.constant 0 : index
    %get3A_1401 = arith.constant 1952 : index
    %get3A_1402 = vector.load %arg2[%get3A_1400, %get3A_1401] : memref<256x2048xf32, #tpu.memory_space<vmem>>, vector<256x15xf32>
    %get3A_1403 = arith.constant 0 : index
    %get3A_1404 = arith.constant 15 : index
    %get3A_1405 = vector.load %arg3[%get3A_1403, %get3A_1404] : memref<256x16xf32, #tpu.memory_space<vmem>>, vector<256x1xf32>
    %mul3A_1406 = arith.constant 2.000000e+00 : f32
    %mul3A_1407 = vector.broadcast %mul3A_1406 : f32 to vector<256x15xf32>
    %mul3A_1408 = arith.mulf %mul3A_1407, %get3A_1402 : vector<256x15xf32>
    %sub3A_1409 = vector.broadcast %get3A_1405 : vector<256x1xf32> to vector<256x15xf32>
    %sub3A_1410 = arith.subf %sub3A_1409, %mul3A_1408 : vector<256x15xf32>
    %add3A_1411 = arith.addf %sub3A_1410, %add3A_7 : vector<256x15xf32>
    %max3A_1412 = arith.constant 0.000000e+00 : f32
    %max3A_1413 = vector.broadcast %max3A_1412 : f32 to vector<256x15xf32>
    %max3A_1414 = arith.maximumf %add3A_1411, %max3A_1413 : vector<256x15xf32>
    %add3A_1415 = arith.constant 9.99999996E-13 : f32
    %add3A_1416 = vector.broadcast %add3A_1415 : f32 to vector<256x15xf32>
    %add3A_1417 = arith.addf %max3A_1414, %add3A_1416 : vector<256x15xf32>
    %sqrt3A_1418 = math.sqrt %add3A_1417 : vector<256x15xf32>
    %div3A_1419 = arith.constant 8.000000e-02 : f32
    %div3A_1420 = vector.broadcast %div3A_1419 : f32 to vector<256x15xf32>
    %div3A_1421 = arith.divf %sqrt3A_1418, %div3A_1420 : vector<256x15xf32>
    %sub3A_1422 = arith.constant 1.000000e+00 : f32
    %sub3A_1423 = vector.broadcast %sub3A_1422 : f32 to vector<256x15xf32>
    %sub3A_1424 = arith.subf %sub3A_1423, %div3A_1421 : vector<256x15xf32>
    %max3A_1425 = arith.constant 0.000000e+00 : f32
    %max3A_1426 = vector.broadcast %max3A_1425 : f32 to vector<256x15xf32>
    %max3A_1427 = arith.maximumf %sub3A_1424, %max3A_1426 : vector<256x15xf32>
    %slice3A_1428 = vector.extract_strided_slice %max3A_1427 {offsets = [0, 0], sizes = [256, 1], strides = [1, 1]} : vector<256x15xf32> to vector<256x1xf32>
    %mul3A_1429 = vector.broadcast %slice3A_1428 : vector<256x1xf32> to vector<256x32xf32>
    %mul3A_1430 = arith.mulf %mul3A_1429, %get3A_1399 : vector<256x32xf32>
    %add3A_1431 = arith.addf %add3A_1340, %mul3A_1430 : vector<256x32xf32>
    %slice3A_1432 = vector.extract_strided_slice %max3A_1427 {offsets = [0, 1], sizes = [256, 1], strides = [1, 1]} : vector<256x15xf32> to vector<256x1xf32>
    %mul3A_1433 = vector.broadcast %slice3A_1432 : vector<256x1xf32> to vector<256x32xf32>
    %mul3A_1434 = arith.mulf %mul3A_1433, %get3A_1399 : vector<256x32xf32>
    %add3A_1435 = arith.addf %add3A_1344, %mul3A_1434 : vector<256x32xf32>
    %slice3A_1436 = vector.extract_strided_slice %max3A_1427 {offsets = [0, 2], sizes = [256, 1], strides = [1, 1]} : vector<256x15xf32> to vector<256x1xf32>
    %mul3A_1437 = vector.broadcast %slice3A_1436 : vector<256x1xf32> to vector<256x32xf32>
    %mul3A_1438 = arith.mulf %mul3A_1437, %get3A_1399 : vector<256x32xf32>
    %add3A_1439 = arith.addf %add3A_1348, %mul3A_1438 : vector<256x32xf32>
    %slice3A_1440 = vector.extract_strided_slice %max3A_1427 {offsets = [0, 3], sizes = [256, 1], strides = [1, 1]} : vector<256x15xf32> to vector<256x1xf32>
    %mul3A_1441 = vector.broadcast %slice3A_1440 : vector<256x1xf32> to vector<256x32xf32>
    %mul3A_1442 = arith.mulf %mul3A_1441, %get3A_1399 : vector<256x32xf32>
    %add3A_1443 = arith.addf %add3A_1352, %mul3A_1442 : vector<256x32xf32>
    %slice3A_1444 = vector.extract_strided_slice %max3A_1427 {offsets = [0, 4], sizes = [256, 1], strides = [1, 1]} : vector<256x15xf32> to vector<256x1xf32>
    %mul3A_1445 = vector.broadcast %slice3A_1444 : vector<256x1xf32> to vector<256x32xf32>
    %mul3A_1446 = arith.mulf %mul3A_1445, %get3A_1399 : vector<256x32xf32>
    %add3A_1447 = arith.addf %add3A_1356, %mul3A_1446 : vector<256x32xf32>
    %slice3A_1448 = vector.extract_strided_slice %max3A_1427 {offsets = [0, 5], sizes = [256, 1], strides = [1, 1]} : vector<256x15xf32> to vector<256x1xf32>
    %mul3A_1449 = vector.broadcast %slice3A_1448 : vector<256x1xf32> to vector<256x32xf32>
    %mul3A_1450 = arith.mulf %mul3A_1449, %get3A_1399 : vector<256x32xf32>
    %add3A_1451 = arith.addf %add3A_1360, %mul3A_1450 : vector<256x32xf32>
    %slice3A_1452 = vector.extract_strided_slice %max3A_1427 {offsets = [0, 6], sizes = [256, 1], strides = [1, 1]} : vector<256x15xf32> to vector<256x1xf32>
    %mul3A_1453 = vector.broadcast %slice3A_1452 : vector<256x1xf32> to vector<256x32xf32>
    %mul3A_1454 = arith.mulf %mul3A_1453, %get3A_1399 : vector<256x32xf32>
    %add3A_1455 = arith.addf %add3A_1364, %mul3A_1454 : vector<256x32xf32>
    %slice3A_1456 = vector.extract_strided_slice %max3A_1427 {offsets = [0, 7], sizes = [256, 1], strides = [1, 1]} : vector<256x15xf32> to vector<256x1xf32>
    %mul3A_1457 = vector.broadcast %slice3A_1456 : vector<256x1xf32> to vector<256x32xf32>
    %mul3A_1458 = arith.mulf %mul3A_1457, %get3A_1399 : vector<256x32xf32>
    %add3A_1459 = arith.addf %add3A_1368, %mul3A_1458 : vector<256x32xf32>
    %slice3A_1460 = vector.extract_strided_slice %max3A_1427 {offsets = [0, 8], sizes = [256, 1], strides = [1, 1]} : vector<256x15xf32> to vector<256x1xf32>
    %mul3A_1461 = vector.broadcast %slice3A_1460 : vector<256x1xf32> to vector<256x32xf32>
    %mul3A_1462 = arith.mulf %mul3A_1461, %get3A_1399 : vector<256x32xf32>
    %add3A_1463 = arith.addf %add3A_1372, %mul3A_1462 : vector<256x32xf32>
    %slice3A_1464 = vector.extract_strided_slice %max3A_1427 {offsets = [0, 9], sizes = [256, 1], strides = [1, 1]} : vector<256x15xf32> to vector<256x1xf32>
    %mul3A_1465 = vector.broadcast %slice3A_1464 : vector<256x1xf32> to vector<256x32xf32>
    %mul3A_1466 = arith.mulf %mul3A_1465, %get3A_1399 : vector<256x32xf32>
    %add3A_1467 = arith.addf %add3A_1376, %mul3A_1466 : vector<256x32xf32>
    %slice3A_1468 = vector.extract_strided_slice %max3A_1427 {offsets = [0, 10], sizes = [256, 1], strides = [1, 1]} : vector<256x15xf32> to vector<256x1xf32>
    %mul3A_1469 = vector.broadcast %slice3A_1468 : vector<256x1xf32> to vector<256x32xf32>
    %mul3A_1470 = arith.mulf %mul3A_1469, %get3A_1399 : vector<256x32xf32>
    %add3A_1471 = arith.addf %add3A_1380, %mul3A_1470 : vector<256x32xf32>
    %slice3A_1472 = vector.extract_strided_slice %max3A_1427 {offsets = [0, 11], sizes = [256, 1], strides = [1, 1]} : vector<256x15xf32> to vector<256x1xf32>
    %mul3A_1473 = vector.broadcast %slice3A_1472 : vector<256x1xf32> to vector<256x32xf32>
    %mul3A_1474 = arith.mulf %mul3A_1473, %get3A_1399 : vector<256x32xf32>
    %add3A_1475 = arith.addf %add3A_1384, %mul3A_1474 : vector<256x32xf32>
    %slice3A_1476 = vector.extract_strided_slice %max3A_1427 {offsets = [0, 12], sizes = [256, 1], strides = [1, 1]} : vector<256x15xf32> to vector<256x1xf32>
    %mul3A_1477 = vector.broadcast %slice3A_1476 : vector<256x1xf32> to vector<256x32xf32>
    %mul3A_1478 = arith.mulf %mul3A_1477, %get3A_1399 : vector<256x32xf32>
    %add3A_1479 = arith.addf %add3A_1388, %mul3A_1478 : vector<256x32xf32>
    %slice3A_1480 = vector.extract_strided_slice %max3A_1427 {offsets = [0, 13], sizes = [256, 1], strides = [1, 1]} : vector<256x15xf32> to vector<256x1xf32>
    %mul3A_1481 = vector.broadcast %slice3A_1480 : vector<256x1xf32> to vector<256x32xf32>
    %mul3A_1482 = arith.mulf %mul3A_1481, %get3A_1399 : vector<256x32xf32>
    %add3A_1483 = arith.addf %add3A_1392, %mul3A_1482 : vector<256x32xf32>
    %slice3A_1484 = vector.extract_strided_slice %max3A_1427 {offsets = [0, 14], sizes = [256, 1], strides = [1, 1]} : vector<256x15xf32> to vector<256x1xf32>
    %mul3A_1485 = vector.broadcast %slice3A_1484 : vector<256x1xf32> to vector<256x32xf32>
    %mul3A_1486 = arith.mulf %mul3A_1485, %get3A_1399 : vector<256x32xf32>
    %add3A_1487 = arith.addf %add3A_1396, %mul3A_1486 : vector<256x32xf32>
    %broadcast_in_dim3A_1488 = arith.constant 0.000000e+00 : f32
    %broadcast_in_dim3A_1489 = vector.broadcast %broadcast_in_dim3A_1488 : f32 to vector<256x32xf32>
    %get3A_1490 = arith.constant 0 : index
    %get3A_1491 = arith.constant 0 : index
    %get3A_1492 = arith.constant 0 : index
    %get3A_1493 = vector.load %arg6[%get3A_1490, %get3A_1491, %get3A_1492] : memref<15x32x32xf32, #tpu.memory_space<vmem>>, vector<1x32x32xf32>
    %get3A_1494 = vector.shape_cast %get3A_1493 : vector<1x32x32xf32> to vector<32x32xf32>
    %dot_general3A = arith.constant dense<0.000000e+00> : vector<256x32xf32>
    %dot_general3A_1495 = tpu.matmul %add3A_1431, %get3A_1494, %dot_general3A {dimension_numbers = #tpu.dot_dimension_numbers<[1], [0], [0], [1], [0, 0, 1, 1], [], []>, transpose_lhs_hint = false} : vector<256x32xf32>, vector<32x32xf32>, vector<256x32xf32> -> vector<256x32xf32>
    %add3A_1496 = arith.addf %broadcast_in_dim3A_1489, %dot_general3A_1495 : vector<256x32xf32>
    %get3A_1497 = arith.constant 1 : index
    %get3A_1498 = arith.constant 0 : index
    %get3A_1499 = arith.constant 0 : index
    %get3A_1500 = vector.load %arg6[%get3A_1497, %get3A_1498, %get3A_1499] : memref<15x32x32xf32, #tpu.memory_space<vmem>>, vector<1x32x32xf32>
    %get3A_1501 = vector.shape_cast %get3A_1500 : vector<1x32x32xf32> to vector<32x32xf32>
    %dot_general3A_1502 = arith.constant dense<0.000000e+00> : vector<256x32xf32>
    %dot_general3A_1503 = tpu.matmul %add3A_1435, %get3A_1501, %dot_general3A_1502 {dimension_numbers = #tpu.dot_dimension_numbers<[1], [0], [0], [1], [0, 0, 1, 1], [], []>, transpose_lhs_hint = false} : vector<256x32xf32>, vector<32x32xf32>, vector<256x32xf32> -> vector<256x32xf32>
    %add3A_1504 = arith.addf %add3A_1496, %dot_general3A_1503 : vector<256x32xf32>
    %get3A_1505 = arith.constant 2 : index
    %get3A_1506 = arith.constant 0 : index
    %get3A_1507 = arith.constant 0 : index
    %get3A_1508 = vector.load %arg6[%get3A_1505, %get3A_1506, %get3A_1507] : memref<15x32x32xf32, #tpu.memory_space<vmem>>, vector<1x32x32xf32>
    %get3A_1509 = vector.shape_cast %get3A_1508 : vector<1x32x32xf32> to vector<32x32xf32>
    %dot_general3A_1510 = arith.constant dense<0.000000e+00> : vector<256x32xf32>
    %dot_general3A_1511 = tpu.matmul %add3A_1439, %get3A_1509, %dot_general3A_1510 {dimension_numbers = #tpu.dot_dimension_numbers<[1], [0], [0], [1], [0, 0, 1, 1], [], []>, transpose_lhs_hint = false} : vector<256x32xf32>, vector<32x32xf32>, vector<256x32xf32> -> vector<256x32xf32>
    %add3A_1512 = arith.addf %add3A_1504, %dot_general3A_1511 : vector<256x32xf32>
    %get3A_1513 = arith.constant 3 : index
    %get3A_1514 = arith.constant 0 : index
    %get3A_1515 = arith.constant 0 : index
    %get3A_1516 = vector.load %arg6[%get3A_1513, %get3A_1514, %get3A_1515] : memref<15x32x32xf32, #tpu.memory_space<vmem>>, vector<1x32x32xf32>
    %get3A_1517 = vector.shape_cast %get3A_1516 : vector<1x32x32xf32> to vector<32x32xf32>
    %dot_general3A_1518 = arith.constant dense<0.000000e+00> : vector<256x32xf32>
    %dot_general3A_1519 = tpu.matmul %add3A_1443, %get3A_1517, %dot_general3A_1518 {dimension_numbers = #tpu.dot_dimension_numbers<[1], [0], [0], [1], [0, 0, 1, 1], [], []>, transpose_lhs_hint = false} : vector<256x32xf32>, vector<32x32xf32>, vector<256x32xf32> -> vector<256x32xf32>
    %add3A_1520 = arith.addf %add3A_1512, %dot_general3A_1519 : vector<256x32xf32>
    %get3A_1521 = arith.constant 4 : index
    %get3A_1522 = arith.constant 0 : index
    %get3A_1523 = arith.constant 0 : index
    %get3A_1524 = vector.load %arg6[%get3A_1521, %get3A_1522, %get3A_1523] : memref<15x32x32xf32, #tpu.memory_space<vmem>>, vector<1x32x32xf32>
    %get3A_1525 = vector.shape_cast %get3A_1524 : vector<1x32x32xf32> to vector<32x32xf32>
    %dot_general3A_1526 = arith.constant dense<0.000000e+00> : vector<256x32xf32>
    %dot_general3A_1527 = tpu.matmul %add3A_1447, %get3A_1525, %dot_general3A_1526 {dimension_numbers = #tpu.dot_dimension_numbers<[1], [0], [0], [1], [0, 0, 1, 1], [], []>, transpose_lhs_hint = false} : vector<256x32xf32>, vector<32x32xf32>, vector<256x32xf32> -> vector<256x32xf32>
    %add3A_1528 = arith.addf %add3A_1520, %dot_general3A_1527 : vector<256x32xf32>
    %get3A_1529 = arith.constant 5 : index
    %get3A_1530 = arith.constant 0 : index
    %get3A_1531 = arith.constant 0 : index
    %get3A_1532 = vector.load %arg6[%get3A_1529, %get3A_1530, %get3A_1531] : memref<15x32x32xf32, #tpu.memory_space<vmem>>, vector<1x32x32xf32>
    %get3A_1533 = vector.shape_cast %get3A_1532 : vector<1x32x32xf32> to vector<32x32xf32>
    %dot_general3A_1534 = arith.constant dense<0.000000e+00> : vector<256x32xf32>
    %dot_general3A_1535 = tpu.matmul %add3A_1451, %get3A_1533, %dot_general3A_1534 {dimension_numbers = #tpu.dot_dimension_numbers<[1], [0], [0], [1], [0, 0, 1, 1], [], []>, transpose_lhs_hint = false} : vector<256x32xf32>, vector<32x32xf32>, vector<256x32xf32> -> vector<256x32xf32>
    %add3A_1536 = arith.addf %add3A_1528, %dot_general3A_1535 : vector<256x32xf32>
    %get3A_1537 = arith.constant 6 : index
    %get3A_1538 = arith.constant 0 : index
    %get3A_1539 = arith.constant 0 : index
    %get3A_1540 = vector.load %arg6[%get3A_1537, %get3A_1538, %get3A_1539] : memref<15x32x32xf32, #tpu.memory_space<vmem>>, vector<1x32x32xf32>
    %get3A_1541 = vector.shape_cast %get3A_1540 : vector<1x32x32xf32> to vector<32x32xf32>
    %dot_general3A_1542 = arith.constant dense<0.000000e+00> : vector<256x32xf32>
    %dot_general3A_1543 = tpu.matmul %add3A_1455, %get3A_1541, %dot_general3A_1542 {dimension_numbers = #tpu.dot_dimension_numbers<[1], [0], [0], [1], [0, 0, 1, 1], [], []>, transpose_lhs_hint = false} : vector<256x32xf32>, vector<32x32xf32>, vector<256x32xf32> -> vector<256x32xf32>
    %add3A_1544 = arith.addf %add3A_1536, %dot_general3A_1543 : vector<256x32xf32>
    %get3A_1545 = arith.constant 7 : index
    %get3A_1546 = arith.constant 0 : index
    %get3A_1547 = arith.constant 0 : index
    %get3A_1548 = vector.load %arg6[%get3A_1545, %get3A_1546, %get3A_1547] : memref<15x32x32xf32, #tpu.memory_space<vmem>>, vector<1x32x32xf32>
    %get3A_1549 = vector.shape_cast %get3A_1548 : vector<1x32x32xf32> to vector<32x32xf32>
    %dot_general3A_1550 = arith.constant dense<0.000000e+00> : vector<256x32xf32>
    %dot_general3A_1551 = tpu.matmul %add3A_1459, %get3A_1549, %dot_general3A_1550 {dimension_numbers = #tpu.dot_dimension_numbers<[1], [0], [0], [1], [0, 0, 1, 1], [], []>, transpose_lhs_hint = false} : vector<256x32xf32>, vector<32x32xf32>, vector<256x32xf32> -> vector<256x32xf32>
    %add3A_1552 = arith.addf %add3A_1544, %dot_general3A_1551 : vector<256x32xf32>
    %get3A_1553 = arith.constant 8 : index
    %get3A_1554 = arith.constant 0 : index
    %get3A_1555 = arith.constant 0 : index
    %get3A_1556 = vector.load %arg6[%get3A_1553, %get3A_1554, %get3A_1555] : memref<15x32x32xf32, #tpu.memory_space<vmem>>, vector<1x32x32xf32>
    %get3A_1557 = vector.shape_cast %get3A_1556 : vector<1x32x32xf32> to vector<32x32xf32>
    %dot_general3A_1558 = arith.constant dense<0.000000e+00> : vector<256x32xf32>
    %dot_general3A_1559 = tpu.matmul %add3A_1463, %get3A_1557, %dot_general3A_1558 {dimension_numbers = #tpu.dot_dimension_numbers<[1], [0], [0], [1], [0, 0, 1, 1], [], []>, transpose_lhs_hint = false} : vector<256x32xf32>, vector<32x32xf32>, vector<256x32xf32> -> vector<256x32xf32>
    %add3A_1560 = arith.addf %add3A_1552, %dot_general3A_1559 : vector<256x32xf32>
    %get3A_1561 = arith.constant 9 : index
    %get3A_1562 = arith.constant 0 : index
    %get3A_1563 = arith.constant 0 : index
    %get3A_1564 = vector.load %arg6[%get3A_1561, %get3A_1562, %get3A_1563] : memref<15x32x32xf32, #tpu.memory_space<vmem>>, vector<1x32x32xf32>
    %get3A_1565 = vector.shape_cast %get3A_1564 : vector<1x32x32xf32> to vector<32x32xf32>
    %dot_general3A_1566 = arith.constant dense<0.000000e+00> : vector<256x32xf32>
    %dot_general3A_1567 = tpu.matmul %add3A_1467, %get3A_1565, %dot_general3A_1566 {dimension_numbers = #tpu.dot_dimension_numbers<[1], [0], [0], [1], [0, 0, 1, 1], [], []>, transpose_lhs_hint = false} : vector<256x32xf32>, vector<32x32xf32>, vector<256x32xf32> -> vector<256x32xf32>
    %add3A_1568 = arith.addf %add3A_1560, %dot_general3A_1567 : vector<256x32xf32>
    %get3A_1569 = arith.constant 10 : index
    %get3A_1570 = arith.constant 0 : index
    %get3A_1571 = arith.constant 0 : index
    %get3A_1572 = vector.load %arg6[%get3A_1569, %get3A_1570, %get3A_1571] : memref<15x32x32xf32, #tpu.memory_space<vmem>>, vector<1x32x32xf32>
    %get3A_1573 = vector.shape_cast %get3A_1572 : vector<1x32x32xf32> to vector<32x32xf32>
    %dot_general3A_1574 = arith.constant dense<0.000000e+00> : vector<256x32xf32>
    %dot_general3A_1575 = tpu.matmul %add3A_1471, %get3A_1573, %dot_general3A_1574 {dimension_numbers = #tpu.dot_dimension_numbers<[1], [0], [0], [1], [0, 0, 1, 1], [], []>, transpose_lhs_hint = false} : vector<256x32xf32>, vector<32x32xf32>, vector<256x32xf32> -> vector<256x32xf32>
    %add3A_1576 = arith.addf %add3A_1568, %dot_general3A_1575 : vector<256x32xf32>
    %get3A_1577 = arith.constant 11 : index
    %get3A_1578 = arith.constant 0 : index
    %get3A_1579 = arith.constant 0 : index
    %get3A_1580 = vector.load %arg6[%get3A_1577, %get3A_1578, %get3A_1579] : memref<15x32x32xf32, #tpu.memory_space<vmem>>, vector<1x32x32xf32>
    %get3A_1581 = vector.shape_cast %get3A_1580 : vector<1x32x32xf32> to vector<32x32xf32>
    %dot_general3A_1582 = arith.constant dense<0.000000e+00> : vector<256x32xf32>
    %dot_general3A_1583 = tpu.matmul %add3A_1475, %get3A_1581, %dot_general3A_1582 {dimension_numbers = #tpu.dot_dimension_numbers<[1], [0], [0], [1], [0, 0, 1, 1], [], []>, transpose_lhs_hint = false} : vector<256x32xf32>, vector<32x32xf32>, vector<256x32xf32> -> vector<256x32xf32>
    %add3A_1584 = arith.addf %add3A_1576, %dot_general3A_1583 : vector<256x32xf32>
    %get3A_1585 = arith.constant 12 : index
    %get3A_1586 = arith.constant 0 : index
    %get3A_1587 = arith.constant 0 : index
    %get3A_1588 = vector.load %arg6[%get3A_1585, %get3A_1586, %get3A_1587] : memref<15x32x32xf32, #tpu.memory_space<vmem>>, vector<1x32x32xf32>
    %get3A_1589 = vector.shape_cast %get3A_1588 : vector<1x32x32xf32> to vector<32x32xf32>
    %dot_general3A_1590 = arith.constant dense<0.000000e+00> : vector<256x32xf32>
    %dot_general3A_1591 = tpu.matmul %add3A_1479, %get3A_1589, %dot_general3A_1590 {dimension_numbers = #tpu.dot_dimension_numbers<[1], [0], [0], [1], [0, 0, 1, 1], [], []>, transpose_lhs_hint = false} : vector<256x32xf32>, vector<32x32xf32>, vector<256x32xf32> -> vector<256x32xf32>
    %add3A_1592 = arith.addf %add3A_1584, %dot_general3A_1591 : vector<256x32xf32>
    %get3A_1593 = arith.constant 13 : index
    %get3A_1594 = arith.constant 0 : index
    %get3A_1595 = arith.constant 0 : index
    %get3A_1596 = vector.load %arg6[%get3A_1593, %get3A_1594, %get3A_1595] : memref<15x32x32xf32, #tpu.memory_space<vmem>>, vector<1x32x32xf32>
    %get3A_1597 = vector.shape_cast %get3A_1596 : vector<1x32x32xf32> to vector<32x32xf32>
    %dot_general3A_1598 = arith.constant dense<0.000000e+00> : vector<256x32xf32>
    %dot_general3A_1599 = tpu.matmul %add3A_1483, %get3A_1597, %dot_general3A_1598 {dimension_numbers = #tpu.dot_dimension_numbers<[1], [0], [0], [1], [0, 0, 1, 1], [], []>, transpose_lhs_hint = false} : vector<256x32xf32>, vector<32x32xf32>, vector<256x32xf32> -> vector<256x32xf32>
    %add3A_1600 = arith.addf %add3A_1592, %dot_general3A_1599 : vector<256x32xf32>
    %get3A_1601 = arith.constant 14 : index
    %get3A_1602 = arith.constant 0 : index
    %get3A_1603 = arith.constant 0 : index
    %get3A_1604 = vector.load %arg6[%get3A_1601, %get3A_1602, %get3A_1603] : memref<15x32x32xf32, #tpu.memory_space<vmem>>, vector<1x32x32xf32>
    %get3A_1605 = vector.shape_cast %get3A_1604 : vector<1x32x32xf32> to vector<32x32xf32>
    %dot_general3A_1606 = arith.constant dense<0.000000e+00> : vector<256x32xf32>
    %dot_general3A_1607 = tpu.matmul %add3A_1487, %get3A_1605, %dot_general3A_1606 {dimension_numbers = #tpu.dot_dimension_numbers<[1], [0], [0], [1], [0, 0, 1, 1], [], []>, transpose_lhs_hint = false} : vector<256x32xf32>, vector<32x32xf32>, vector<256x32xf32> -> vector<256x32xf32>
    %add3A_1608 = arith.addf %add3A_1600, %dot_general3A_1607 : vector<256x32xf32>
    %swap3A = arith.constant 0 : index
    %swap3A_1609 = arith.constant 0 : index
    %swap3A_1610 = vector.load %arg7[%swap3A, %swap3A_1609] : memref<256x32xf32, #tpu.memory_space<vmem>>, vector<256x32xf32>
    tpu.vector_store %arg7[%swap3A, %swap3A_1609], %add3A_1608 {strides = array<i32>} : memref<256x32xf32, #tpu.memory_space<vmem>>, vector<256x32xf32>,
    return
  }
  func.func @transform_0(%arg0: i32) -> (i32, i32) {
    %c0_i32 = arith.constant 0 : i32
    %c0_i32_0 = arith.constant 0 : i32
    return %arg0, %c0_i32 : i32, i32
  }
  func.func @transform_1(%arg0: i32) -> (i32, i32) {
    %c0_i32 = arith.constant 0 : i32
    %c0_i32_0 = arith.constant 0 : i32
    return %arg0, %c0_i32 : i32, i32
  }
  func.func @transform_2(%arg0: i32) -> (i32, i32) {
    %c0_i32 = arith.constant 0 : i32
    %c0_i32_0 = arith.constant 0 : i32
    return %arg0, %c0_i32 : i32, i32
  }
  func.func @transform_3(%arg0: i32) -> (i32, i32) {
    %c0_i32 = arith.constant 0 : i32
    %c0_i32_0 = arith.constant 0 : i32
    return %arg0, %c0_i32 : i32, i32
  }
  func.func @transform_4(%arg0: i32) -> (i32, i32) {
    %c0_i32 = arith.constant 0 : i32
    %c0_i32_0 = arith.constant 0 : i32
    %c0_i32_1 = arith.constant 0 : i32
    return %c0_i32, %c0_i32_0 : i32, i32
  }
  func.func @transform_5(%arg0: i32) -> (i32, i32, i32) {
    %c0_i32 = arith.constant 0 : i32
    %c0_i32_0 = arith.constant 0 : i32
    %c0_i32_1 = arith.constant 0 : i32
    %c0_i32_2 = arith.constant 0 : i32
    return %c0_i32, %c0_i32_0, %c0_i32_1 : i32, i32, i32
  }
  func.func @transform_6(%arg0: i32) -> (i32, i32) {
    %c0_i32 = arith.constant 0 : i32
    %c0_i32_0 = arith.constant 0 : i32
    return %arg0, %c0_i32 : i32, i32
  }
}

module attributes {stable_mosaic.version = 14 : i64} {
  func.func @_post_body(%arg0: memref<10000x32xf32, #tpu.memory_space<vmem>>, %arg1: memref<1x32xf32, #tpu.memory_space<vmem>>, %arg2: memref<1x32xf32, #tpu.memory_space<vmem>>, %arg3: memref<32x128xf32, #tpu.memory_space<vmem>>, %arg4: memref<1x128xf32, #tpu.memory_space<vmem>>, %arg5: memref<1x128xf32, #tpu.memory_space<vmem>>, %arg6: memref<10000x128xf32, #tpu.memory_space<vmem>>, %arg7: memref<10000x128xf32, #tpu.memory_space<vmem>>) attributes {dimension_semantics = [], scalar_prefetch = 0 : i64, scratch_operands = 0 : i64, tpu.core_type = #tpu.core_type<tc>} {
    %get3A = arith.constant 0 : index
    %get3A_0 = arith.constant 0 : index
    %get3A_1 = vector.load %arg0[%get3A, %get3A_0] : memref<10000x32xf32, #tpu.memory_space<vmem>>, vector<10000x32xf32>
    %get3A_2 = arith.constant 0 : index
    %get3A_3 = arith.constant 0 : index
    %get3A_4 = vector.load %arg1[%get3A_2, %get3A_3] : memref<1x32xf32, #tpu.memory_space<vmem>>, vector<1x32xf32>
    %get3A_5 = arith.constant 0 : index
    %get3A_6 = arith.constant 0 : index
    %get3A_7 = vector.load %arg2[%get3A_5, %get3A_6] : memref<1x32xf32, #tpu.memory_space<vmem>>, vector<1x32xf32>
    %reduce_sum3A = arith.constant dense<0.000000e+00> : vector<32xf32>
    %reduce_sum3A_8 = vector.multi_reduction <add>, %get3A_1, %reduce_sum3A [0] : vector<10000x32xf32> to vector<32xf32>
    %broadcast_in_dim3A = vector.shape_cast %reduce_sum3A_8 : vector<32xf32> to vector<1x32xf32>
    %div3A = arith.constant 1.000000e+04 : f32
    %div3A_9 = vector.broadcast %div3A : f32 to vector<1x32xf32>
    %div3A_10 = arith.divf %broadcast_in_dim3A, %div3A_9 : vector<1x32xf32>
    %sub3A = vector.broadcast %div3A_10 : vector<1x32xf32> to vector<10000x32xf32>
    %sub3A_11 = arith.subf %get3A_1, %sub3A : vector<10000x32xf32>
    %integer_pow3A = arith.mulf %sub3A_11, %sub3A_11 : vector<10000x32xf32>
    %reduce_sum3A_12 = arith.constant dense<0.000000e+00> : vector<32xf32>
    %reduce_sum3A_13 = vector.multi_reduction <add>, %integer_pow3A, %reduce_sum3A_12 [0] : vector<10000x32xf32> to vector<32xf32>
    %broadcast_in_dim3A_14 = vector.shape_cast %reduce_sum3A_13 : vector<32xf32> to vector<1x32xf32>
    %div3A_15 = arith.constant 1.000000e+04 : f32
    %div3A_16 = vector.broadcast %div3A_15 : f32 to vector<1x32xf32>
    %div3A_17 = arith.divf %broadcast_in_dim3A_14, %div3A_16 : vector<1x32xf32>
    %sub3A_18 = vector.broadcast %div3A_10 : vector<1x32xf32> to vector<10000x32xf32>
    %sub3A_19 = arith.subf %get3A_1, %sub3A_18 : vector<10000x32xf32>
    %add3A = arith.constant 9.99999974E-6 : f32
    %add3A_20 = vector.broadcast %add3A : f32 to vector<1x32xf32>
    %add3A_21 = arith.addf %div3A_17, %add3A_20 : vector<1x32xf32>
    %sqrt3A = math.sqrt %add3A_21 : vector<1x32xf32>
    %div3A_22 = vector.broadcast %sqrt3A : vector<1x32xf32> to vector<10000x32xf32>
    %div3A_23 = arith.divf %sub3A_19, %div3A_22 : vector<10000x32xf32>
    %mul3A = vector.broadcast %get3A_4 : vector<1x32xf32> to vector<10000x32xf32>
    %mul3A_24 = arith.mulf %div3A_23, %mul3A : vector<10000x32xf32>
    %add3A_25 = vector.broadcast %get3A_7 : vector<1x32xf32> to vector<10000x32xf32>
    %add3A_26 = arith.addf %mul3A_24, %add3A_25 : vector<10000x32xf32>
    %ge3A = arith.constant 0.000000e+00 : f32
    %ge3A_27 = vector.broadcast %ge3A : f32 to vector<10000x32xf32>
    %ge3A_28 = arith.cmpf oge, %add3A_26, %ge3A_27 : vector<10000x32xf32>
    %mul3A_29 = arith.constant 1.000000e-01 : f32
    %mul3A_30 = vector.broadcast %mul3A_29 : f32 to vector<10000x32xf32>
    %mul3A_31 = arith.mulf %mul3A_30, %add3A_26 : vector<10000x32xf32>
    %select_n3A = arith.select %ge3A_28, %add3A_26, %mul3A_31 : vector<10000x32xi1>, vector<10000x32xf32>
    %get3A_32 = arith.constant 0 : index
    %get3A_33 = arith.constant 0 : index
    %get3A_34 = vector.load %arg3[%get3A_32, %get3A_33] : memref<32x128xf32, #tpu.memory_space<vmem>>, vector<32x128xf32>
    %dot_general3A = arith.constant dense<0.000000e+00> : vector<10000x128xf32>
    %dot_general3A_35 = tpu.matmul %select_n3A, %get3A_34, %dot_general3A {dimension_numbers = #tpu.dot_dimension_numbers<[1], [0], [0], [1], [0, 0, 1, 1], [], []>, transpose_lhs_hint = false} : vector<10000x32xf32>, vector<32x128xf32>, vector<10000x128xf32> -> vector<10000x128xf32>
    %get3A_36 = arith.constant 0 : index
    %get3A_37 = arith.constant 0 : index
    %get3A_38 = vector.load %arg4[%get3A_36, %get3A_37] : memref<1x128xf32, #tpu.memory_space<vmem>>, vector<1x128xf32>
    %get3A_39 = arith.constant 0 : index
    %get3A_40 = arith.constant 0 : index
    %get3A_41 = vector.load %arg5[%get3A_39, %get3A_40] : memref<1x128xf32, #tpu.memory_space<vmem>>, vector<1x128xf32>
    %reduce_sum3A_42 = arith.constant dense<0.000000e+00> : vector<128xf32>
    %reduce_sum3A_43 = vector.multi_reduction <add>, %dot_general3A_35, %reduce_sum3A_42 [0] : vector<10000x128xf32> to vector<128xf32>
    %broadcast_in_dim3A_44 = vector.shape_cast %reduce_sum3A_43 : vector<128xf32> to vector<1x128xf32>
    %div3A_45 = arith.constant 1.000000e+04 : f32
    %div3A_46 = vector.broadcast %div3A_45 : f32 to vector<1x128xf32>
    %div3A_47 = arith.divf %broadcast_in_dim3A_44, %div3A_46 : vector<1x128xf32>
    %sub3A_48 = vector.broadcast %div3A_47 : vector<1x128xf32> to vector<10000x128xf32>
    %sub3A_49 = arith.subf %dot_general3A_35, %sub3A_48 : vector<10000x128xf32>
    %integer_pow3A_50 = arith.mulf %sub3A_49, %sub3A_49 : vector<10000x128xf32>
    %reduce_sum3A_51 = arith.constant dense<0.000000e+00> : vector<128xf32>
    %reduce_sum3A_52 = vector.multi_reduction <add>, %integer_pow3A_50, %reduce_sum3A_51 [0] : vector<10000x128xf32> to vector<128xf32>
    %broadcast_in_dim3A_53 = vector.shape_cast %reduce_sum3A_52 : vector<128xf32> to vector<1x128xf32>
    %div3A_54 = arith.constant 1.000000e+04 : f32
    %div3A_55 = vector.broadcast %div3A_54 : f32 to vector<1x128xf32>
    %div3A_56 = arith.divf %broadcast_in_dim3A_53, %div3A_55 : vector<1x128xf32>
    %sub3A_57 = vector.broadcast %div3A_47 : vector<1x128xf32> to vector<10000x128xf32>
    %sub3A_58 = arith.subf %dot_general3A_35, %sub3A_57 : vector<10000x128xf32>
    %add3A_59 = arith.constant 9.99999974E-6 : f32
    %add3A_60 = vector.broadcast %add3A_59 : f32 to vector<1x128xf32>
    %add3A_61 = arith.addf %div3A_56, %add3A_60 : vector<1x128xf32>
    %sqrt3A_62 = math.sqrt %add3A_61 : vector<1x128xf32>
    %div3A_63 = vector.broadcast %sqrt3A_62 : vector<1x128xf32> to vector<10000x128xf32>
    %div3A_64 = arith.divf %sub3A_58, %div3A_63 : vector<10000x128xf32>
    %mul3A_65 = vector.broadcast %get3A_38 : vector<1x128xf32> to vector<10000x128xf32>
    %mul3A_66 = arith.mulf %div3A_64, %mul3A_65 : vector<10000x128xf32>
    %add3A_67 = vector.broadcast %get3A_41 : vector<1x128xf32> to vector<10000x128xf32>
    %add3A_68 = arith.addf %mul3A_66, %add3A_67 : vector<10000x128xf32>
    %ge3A_69 = arith.constant 0.000000e+00 : f32
    %ge3A_70 = vector.broadcast %ge3A_69 : f32 to vector<10000x128xf32>
    %ge3A_71 = arith.cmpf oge, %add3A_68, %ge3A_70 : vector<10000x128xf32>
    %mul3A_72 = arith.constant 1.000000e-01 : f32
    %mul3A_73 = vector.broadcast %mul3A_72 : f32 to vector<10000x128xf32>
    %mul3A_74 = arith.mulf %mul3A_73, %add3A_68 : vector<10000x128xf32>
    %select_n3A_75 = arith.select %ge3A_71, %add3A_68, %mul3A_74 : vector<10000x128xi1>, vector<10000x128xf32>
    %get3A_76 = arith.constant 0 : index
    %get3A_77 = arith.constant 0 : index
    %get3A_78 = vector.load %arg6[%get3A_76, %get3A_77] : memref<10000x128xf32, #tpu.memory_space<vmem>>, vector<10000x128xf32>
    %add3A_79 = arith.addf %select_n3A_75, %get3A_78 : vector<10000x128xf32>
    %swap3A = arith.constant 0 : index
    %swap3A_80 = arith.constant 0 : index
    %swap3A_81 = vector.load %arg7[%swap3A, %swap3A_80] : memref<10000x128xf32, #tpu.memory_space<vmem>>, vector<10000x128xf32>
    tpu.vector_store %arg7[%swap3A, %swap3A_80], %add3A_79 {strides = array<i32>} : memref<10000x128xf32, #tpu.memory_space<vmem>>, vector<10000x128xf32>,
    return
  }
}

</mosaic_0001>

<sc_bundles>
// kernel: kernel.7.cloned.1.call-start
scs
__scs_entry_jumppad:
0x0: {  	(pc) =	sbr.rel $0x88, $3  }
0x1: {  	(tag) =	ssettag $0x0;
	lr =	simm.s32 $0x1  }
0x2: {  	[smem:$0x3F95] =	sst lr;
	_ =	strace $0xD0000000  }
0x3: {  	_ = 	snop  }
0x4: {  	_ = 	snop  }
0x5: {  	_ = 	snop  }
0x6: {  	_ = 	snop  }
0x7: {  	_ = 	snop  }
__scs_overlays_trampoline_lowered:
0x8: {  	[smem:$0x3FA4] =	sst s0  }
0x9: {  	[smem:$0x3FA5] =	sst s1  }
0xa: {  	[smem:$0x3FA6] =	sst s2  }
0xb: {  	[smem:$0x3FA7] =	sst s3  }
0xc: {  	[smem:$0x3FA8] =	sst s4  }
0xd: {  	[smem:$0x3FA9] =	sst s5  }
0xe: {  	[smem:$0x3FAA] =	sst s6  }
0xf: {  	[smem:$0x3FAB] =	sst s7  }
0x10: {  	[smem:$0x3FAC] =	sst s8  }
0x11: {  	[smem:$0x3FAD] =	sst s9;
	s0 =	simm.s32 @!p0 $0x0  }
0x12: {  	s1 =	sld [smem:$0x3F93];
	s0 =	simm.s32 @p0 $0x1  }
0x13: {  	[smem:$0x3FAE] =	sst s0;
	s0 =	simm.s32 @!p1 $0x0  }
0x14: {  	s2 =	sld [smem:$0x3F92];
	s0 =	simm.s32 @p1 $0x1  }
0x15: {  	[smem:$0x3FAF] =	sst s0;
	s0 =	simm.s32 @!p2 $0x0  }
0x16: {  	s3 =	sld [smem:$0x3FDB];
	s0 =	simm.s32 @p2 $0x1  }
0x17: {  	s4 =	simm.s32 $0x1BF5;
	[smem:$0x3FB1] =	sst s0  }
0x18: {  	s0 =	sld [smem:$0x3F94];
	_ =	swait.ge [sflag:s4], $0x0  }
0x19: {  	s7 =	sld [smem:$0x3F95]  }
0x1a: {  	s8 =	sadd.s32 $0xFFFFE003, lr  }
0x1b: {  	s9 =	sadd.s32 $0xFFFFFEF7, lr;
	s5 =	simm.s32 $0xFFFFFFFF;
	p2 =	slt.u32 s8, $0xFFFFF086  }
0x1c: {  	p1 =	slt.u32 s9, $0xF7A;
	s5 =	simm.s32 @!p2 $0x0  }
0x1d: {  	s5 =	simm.s32 @p1 $0x1;
	p0 =	seq.s32 s7, s2  }
0x1e: {  	s7 =	smul.u32 @!p0 $0xF7A, s2;
	p2 =	seq.s32 @!p0 s5, $0x0  }
0x1f: {  	s9 =	smul.u32 $0xF7A, s1;
	s8 =	simm.s32 @!p0 $0x1BF5;
	p2 =	por !p2, p0  }
0x20: {  	[sflag:s8] =	ssyncset.s32 @!p0 $0xFFFFF086;
	s6 =	sadd.s32 @!p0 s3, s7;
	s7 =	simm.s32 @!p0 $0x108  }
0x21: {  	s3 =	sadd.s32 s3, s9;
	s6 =	sadd.s32 @!p0 $0x88, s6;
	s7 =	simm.s32 @p2 $0x1082  }
0x22: {  	[simem:s7], [sflag:s8] =	dma.local @!p0 [hbm:s6], $0xF7A  }
0x23: {  	s9 =	sor.u32 $0xD0000000, s2;
	s6 =	simm.s32 $0x108;
	_ =	swait.ge @!p0 [sflag:s8], $0x0  }
0x24: {  	s3 =	sadd.s32 $0x88, s3;
	s6 =	simm.s32 @!p1 $0x1082;
	[sflag:s4] =	ssyncset.s32 $0xFFFFF086  }
0x25: {  	[simem:s6], [sflag:s4] =	dma.local [hbm:s3], $0xF7A  }
0x26: {  	[smem:$0x3F95] =	sst s1;
	(tag) =	ssettag s2;
	_ =	strace s9  }
0x27: {  	s1 =	sld [smem:$0x3FA5]  }
0x28: {  	s2 =	sld [smem:$0x3FA6]  }
0x29: {  	s4 =	sld [smem:$0x3FA8]  }
0x2a: {  	p0 =	seq.s32 s5, $0x0;
	s5 =	sld [smem:$0x3FA9]  }
0x2b: {  	s6 =	sld [smem:$0x3FAA]  }
0x2c: {  	s7 =	sld [smem:$0x3FAB]  }
0x2d: {  	s3 =	simm.s32 $0x108;
	s8 =	sld [smem:$0x3FAC]  }
0x2e: {  	s3 =	simm.s32 @!p0 $0x1082;
	s9 =	sld [smem:$0x3FAD]  }
0x2f: {  	lr =	sadd.s32 s0, s3;
	s0 =	sld [smem:$0x3FA4]  }
0x30: {  	s3 =	sld [smem:$0x3FA7]  }
0x31: {  	[smem:$0x3FB0] =	sst s10  }
0x32: {  	s10 =	sld [smem:$0x3FAE];
	_ =	sdelay $0x3  }
0x33: {  	p0 =	seq.s32 s10, $0x1;
	s10 =	sld [smem:$0x3FB0];
	_ =	sdelay $0x3  }
0x34: {  	[smem:$0x3FB0] =	sst s10  }
0x35: {  	s10 =	sld [smem:$0x3FAF];
	_ =	sdelay $0x3  }
0x36: {  	p1 =	seq.s32 s10, $0x1;
	s10 =	sld [smem:$0x3FB0];
	_ =	sdelay $0x3  }
0x37: {  	[smem:$0x3FB0] =	sst s10  }
0x38: {  	s10 =	sld [smem:$0x3FB1]  }
0x39: {  	_ = 	snop;
	(pc) =	sbr.ind lr, $3  }
0x3a: {  	_ = 	snop  }
0x3b: {  	_ = 	snop  }
0x3c: {  	p2 =	seq.s32 s10, $0x1;
	s10 =	sld [smem:$0x3FB0]  }
0x3d: {  	_ =	shalt  }
0x3e: {  	_ =	shalt  }
0x3f: {  	_ =	shalt  }
0x40: {  	_ =	shalt  }
0x41: {  	_ =	shalt  }
0x42: {  	_ =	shalt  }
0x43: {  	_ =	shalt  }
0x44: {  	_ =	shalt  }
0x45: {  	_ =	shalt  }
0x46: {  	_ =	shalt  }
0x47: {  	_ =	shalt  }
0x48: {  	_ =	shalt  }
0x49: {  	_ =	shalt  }
0x4a: {  	_ =	shalt  }
0x4b: {  	_ =	shalt  }
0x4c: {  	_ =	shalt  }
0x4d: {  	_ =	shalt  }
0x4e: {  	_ =	shalt  }
0x4f: {  	_ =	shalt  }
0x50: {  	_ =	shalt  }
0x51: {  	_ =	shalt  }
0x52: {  	_ =	shalt  }
0x53: {  	_ =	shalt  }
0x54: {  	_ =	shalt  }
0x55: {  	_ =	shalt  }
0x56: {  	_ =	shalt  }
0x57: {  	_ =	shalt  }
0x58: {  	_ =	shalt  }
0x59: {  	_ =	shalt  }
0x5a: {  	_ =	shalt  }
0x5b: {  	_ =	shalt  }
0x5c: {  	_ =	shalt  }
0x5d: {  	_ =	shalt  }
0x5e: {  	_ =	shalt  }
0x5f: {  	_ =	shalt  }
0x60: {  	_ =	shalt  }
0x61: {  	_ =	shalt  }
0x62: {  	_ =	shalt  }
0x63: {  	_ =	shalt  }
0x64: {  	_ =	shalt  }
0x65: {  	_ =	shalt  }
0x66: {  	_ =	shalt  }
0x67: {  	_ =	shalt  }
0x68: {  	_ =	shalt  }
0x69: {  	_ =	shalt  }
0x6a: {  	_ =	shalt  }
0x6b: {  	_ =	shalt  }
0x6c: {  	_ =	shalt  }
0x6d: {  	_ =	shalt  }
0x6e: {  	_ =	shalt  }
0x6f: {  	_ =	shalt  }
0x70: {  	_ =	shalt  }
0x71: {  	_ =	shalt  }
0x72: {  	_ =	shalt  }
0x73: {  	_ =	shalt  }
0x74: {  	_ =	shalt  }
0x75: {  	_ =	shalt  }
0x76: {  	_ =	shalt  }
0x77: {  	_ =	shalt  }
0x78: {  	_ =	shalt  }
0x79: {  	_ =	shalt  }
0x7a: {  	_ =	shalt  }
0x7b: {  	_ =	shalt  }
0x7c: {  	_ =	shalt  }
0x7d: {  	_ =	shalt  }
0x7e: {  	_ =	shalt  }
0x7f: {  	_ =	shalt  }
0x80: {  	_ =	shalt  }
0x81: {  	_ =	shalt  }
0x82: {  	_ =	shalt  }
0x83: {  	_ =	shalt  }
0x84: {  	_ =	shalt  }
0x85: {  	_ =	shalt  }
0x86: {  	_ =	shalt  }
0x87: {  	_ =	shalt  }
.Lfunc_end0:
.L_simem_size_0:
called_computation_lowered:
.L_overlay_start_0:
0x88: {  	s2 =	sld [smem:$0x3FD9]  }
0x89: {  	s3 =	sld [smem:$0x3FFE];
	_ =	sdelay $0x1  }
0x8a: {  	s1 =	srdreg.scid  }
0x8b: {  	s0 =	sand.u32 $0x1, s1  }
0x8c: {  	s17 =	sshll.u32 s0, $0xA;
	s2 =	sadd.s32 s3, s2  }
0x8d: {  	s2 =	sadd.s32 s2, s17  }
0x8e: {  	[smem:$0x3FBC] =	sst s2  }
0x8f: {  	_ = 	snop  }
0x90: {  	s2 =	sld [smem:$0x3FD0];
	(tm) =	ssettm $0x1  }
0x91: {  	s18 =	sld [smem:$0x3FFB];
	_ =	sdelay $0x3  }
0x92: {  	_ =	strace s18  }
0x93: {  	s3 =	sld [smem:$0x3FFC];
	_ =	sdelay $0x3  }
0x94: {  	_ =	strace s3  }
0x95: {  	s3 =	sld [smem:$0x3FFD];
	_ =	sdelay $0x3  }
0x96: {  	_ =	strace s3  }
0x97: {  	_ =	strace $0x8FFFFFFF  }
0x98: {  	s19 =	sld [smem:$0x3FDB];
	_ =	sdelay $0x1  }
0x99: {  	s4 =	simm.s32 $_scs_section_size  }
0x9a: {  	s5 =	simm.s32 $_size__tile_overlayer_lowered;
	s6 =	simm.s32 $_tile_overlayer_lowered  }
0x9b: {  	s22 =	simm.s32 $0x1BFF;
	s21 =	sshll.u32 s6, $0x1;
	s3 =	sadd.s32 s4, s19  }
0x9c: {  	s7 =	simm.s32 $0x0;
	s20 =	sshll.u32 s5, $0x1;
	s5 =	sadd.s32 s21, s3  }
0x9d: {  	[timem:s7], [sflag:s22] =	dma.local [hbm:s5], s20  }
0x9e: {  	_ =	swait.ge [sflag:s22], s20  }
0x9f: {  	s4 =	ssub.s32 $0x0, s20;
	[sflag:s22] =	ssyncset.done $0x0  }
0xa0: {  	[sflag:s22] =	ssyncadd.s32 s4;
	_ =	sdelay $0x1  }
0xa1: {  	s23 =	simm.s32 $0x1B8B  }
0xa2: {  	_ =	swait.ge [sflag:s23], $0x1  }
0xa3: {  	[sflag:s23] =	ssyncset.done $0x0  }
0xa4: {  	s25 =	simm.s32 $0x1B8E;
	s24 =	sld [smem:$0x3FFE];
	[sflag:s23] =	ssyncadd.s32 $0xFFFFFFFF  }
0xa5: {  	s26 =	simm.s32 $execute0_lowered;
	[smem:$0x3FD2] =	sst s25  }
0xa6: {  	s5 =	sshll.u32 s26, $0x1;
	_ =	strace $0x80000046;
	[dreg:$0x1] =	wrdreg $0xFFFFFFFF  }
0xa7: {  	s28 =	simm.s32 $_size_execute0_lowered;
	s3 =	sadd.s32 s3, s5;
	[dreg:$0x0] =	wrdreg $0x0  }
0xa8: {  	s5 =	sshll.u32 s28, $0x1;
	[dreg:$0x2] =	wrdreg s3  }
0xa9: {  	[dreg:$0x3] =	wrdreg s5  }
0xaa: {  	[dreg:$0x4] =	wrdreg $0xC0  }
0xab: {  	_ =	task [dreg:s7], $0x5FFFF  }
0xac: {  	[dreg:$0x1] =	wrdreg $0xFFFFFFFF  }
0xad: {  	[dreg:$0x0] =	wrdreg $0x60  }
0xae: {  	[dreg:$0x2] =	wrdreg s24  }
0xaf: {  	[dreg:$0x3] =	wrdreg s2  }
0xb0: {  	[dreg:$0x4] =	wrdreg $0x9  }
0xb1: {  	_ =	task.clear_ibuf [dreg:s7], $0x5FFFF;
	_ =	strace $0x90000046  }
0xb2: {  	s29 =	simm.s32 $0x9;
	_ =	strace $0x80000048  }
0xb3: {  	_ =	swait.ge [sflag:s29], $0x1  }
0xb4: {  	[sflag:s29] =	ssyncadd.s32 $0xFFFFFFFF  }
0xb5: {  	_ =	strace $0x90000048  }
0xb6: {  	_ =	sfence  }
0xb7: {  	s30 =	sld [smem:$0x0];
	_ =	sdelay $0x2  }
0xb8: {  	s31 =	sshll.u32 s1, $0xD;
	s1 =	sshrl.u32 s1, $0x2  }
0xb9: {  	s3 =	sand.u32 $0x4000, s31;
	s1 =	sadd.s32 s1, s30  }
0xba: {  	s0 =	sor.u32 s3, s0;
	s1 =	sshll.u32 s1, $0x11  }
0xbb: {  	s0 =	sor.u32 s1, s0  }
0xbc: {  	s0 =	sadd.s32 $0x8F2B, s0  }
0xbd: {  	[sflag:s0] =	ssyncadd.remote.s32 $0x1  }
0xbe: {  	_ =	sfence.sel $0xFFFF  }
0xbf: {  	[dreg:$0x0] =	wrdreg $0xFFFFFFFF;
	(pc) =	sbr.abs _section_cstart, $3  }
0xc0: {  	[dreg:$0x1] =	wrdreg $0xFFFFFFFF  }
0xc1: {  	_ =	task.clear_ibuf [dreg:s7], $0x2FFFF;
	_ =	strace $0x9FFFFFFF  }
0xc2: {  	(tm) =	ssettm $0x7FFFFFFF  }
0xc3: {  	_ =	shalt  }
tec
execute0_lowered:
.L_overlay_start_1:
0x0: {  	(tag) =	ssettag $0x1  }
0x1: {  	s3 =	rddreg [dreg:$0x0]  }
0x2: {  	s6 =	rddreg [dreg:$0x1]  }
0x3: {  	s0 =	rddreg [dreg:$0x2];
	s1 =	stileid.u32  }
0x4: {  	s2 =	simm.s32 $0x0;
	s5 =	srdreg.scid;
	s4 =	smul.u32 $0x28000, s1  }
0x5: {  	[smem:$0x7FF] =	sst s2;
	s5 =	sand.u32 $0x1, s5;
	s7 =	smul.u32 $0x2800, s1  }
0x6: {  	_ =	strace $0x80000047;
	s8 =	ssub.s32 $0x2, s5;
	s9 =	smul.u32 $0x1400, s5  }
0x7: {  	s5 =	smul.u32 $0x14000, s5;
	s10 =	sadd.s32 s4, s3;
	s31 =	sshrl.u32 s8, $0x1  }
0x8: {  	s3 =	sadd.s32 $0x53800, s3;
	s4 =	ssub.s32 s8, s31;
	s7 =	sadd.s32 s9, s7  }
0x9: {  	s5 =	sadd.s32 s5, s10;
	s8 =	simm.s32 $0x80;
	s9 =	simm.s32 $0x1  }
0xa: {  	s10 =	simm.s32 $0x0;
	s4 =	smax.u32 s4, $0x1;
	s7 =	sshrl.u32 s7, $0x3  }
0xb: {  	s5 =	sadd.s32 $0x7B800, s5;
	s6 =	sadd.s32 s7, s6;
	s7 =	simm.s32 $0x2  }
.LBB2_1:
0xc: {  	s11 =	sadd.s32 $0x0, s6  }
0xd: {  	[tilespmem:s2], [sflag:$0x2] =	stream.linear.gather [hbm4b:s11+s2], $0x80, $0x38;
	[tilespmem:$0x4080] =	vst v63  }
0xe: {  	_ =	swait.ge [sflag:s7], $0x80  }
0xf: {  	[sflag:s7] =	ssyncset.done $0x0  }
0x10: {  	[sflag:s7] =	ssyncadd.s32 $0xFFFFFF80  }
0x11: {  	[tilespmem:s8], [sflag:$0x1] =	stream.indirect.gather [hbm4b:s3+s8], $0x80, s2, s8, $0xb8;
	[tilespmem:$0x4080] =	vst v63  }
0x12: {  	_ =	swait.ge [sflag:s9], $0x4000  }
0x13: {  	[sflag:s9] =	ssyncset.done $0x0  }
0x14: {  	[sflag:s9] =	ssyncadd.s32 $0xFFFFC000  }
0x15: {  	[hbm4b:s5+s2] =	stream.linear.scatter [tilespmem:s8], [sflag:$0x2], $0x4000, $0x38;
	[tilespmem:$0x4080] =	vst v63  }
0x16: {  	s12 =	simm.s32 $0x10;
	_ =	swait.ge [sflag:s7], $0x4000  }
0x17: {  	s13 =	simm.s32 $0x20;
	s11 =	sadd.s32 $0x800, s5;
	[sflag:s7] =	ssyncset.done $0x0  }
.LBB2_2:
0x18: {  	s14 =	sadd.s32 s12, s6  }
0x19: {  	[sflag:s7] =	ssyncadd.s32 $0xFFFFC000;
	s12 =	smov.u32 s13;
	s15 =	sadd.s32 $0x10, s13  }
0x1a: {  	[tilespmem:s2], [sflag:$0x2] =	stream.linear.gather [hbm4b:s14+s2], $0x80, $0x38;
	[tilespmem:$0x4080] =	vst v63  }
0x1b: {  	p0 =	sne.s32 s13, $0x270;
	_ =	swait.ge [sflag:s7], $0x80  }
0x1c: {  	[sflag:s7] =	ssyncset.done $0x0  }
0x1d: {  	[sflag:s7] =	ssyncadd.s32 $0xFFFFFF80  }
0x1e: {  	[tilespmem:s8], [sflag:$0x1] =	stream.indirect.gather [hbm4b:s3+s8], $0x80, s2, s8, $0xb8;
	[tilespmem:$0x4080] =	vst v63  }
0x1f: {  	_ =	swait.ge [sflag:s9], $0x4000  }
.Ltmp0:
0x20: {  	[sflag:s9] =	ssyncset.done $0x0;
	(pc) =	sbr.rel @p0 .LBB2_2-.Ltmp0, $4  }
0x21: {  	[sflag:s9] =	ssyncadd.s32 $0xFFFFC000  }
0x22: {  	[hbm4b:s11+s2] =	stream.linear.scatter [tilespmem:s8], [sflag:$0x2], $0x4000, $0x38;
	[tilespmem:$0x4080] =	vst v63  }
0x23: {  	_ =	swait.ge [sflag:s7], $0x4000  }
0x24: {  	s13 =	smov.u32 s15;
	s11 =	sadd.s32 $0x800, s11;
	[sflag:s7] =	ssyncset.done $0x0  }
0x25: {  	s12 =	sadd.s32 s12, s6;
	[sflag:s7] =	ssyncadd.s32 $0xFFFFC000  }
0x26: {  	[tilespmem:s2], [sflag:$0x2] =	stream.linear.gather [hbm4b:s12+s2], $0x80, $0x38;
	[tilespmem:$0x4080] =	vst v63  }
0x27: {  	_ =	swait.ge [sflag:s7], $0x80  }
0x28: {  	[sflag:s7] =	ssyncset.done $0x0  }
0x29: {  	[sflag:s7] =	ssyncadd.s32 $0xFFFFFF80  }
0x2a: {  	[tilespmem:s8], [sflag:$0x1] =	stream.indirect.gather [hbm4b:s3+s8], $0x80, s2, s8, $0xb8;
	[tilespmem:$0x4080] =	vst v63  }
0x2b: {  	s10 =	sadd.s32 $0x1, s10;
	_ =	swait.ge [sflag:s9], $0x4000  }
0x2c: {  	p0 =	sne.s32 s10, s4;
	[sflag:s9] =	ssyncset.done $0x0  }
.Ltmp1:
0x2d: {  	[sflag:s9] =	ssyncadd.s32 $0xFFFFC000;
	(pc) =	sbr.rel @p0 .LBB2_1-.Ltmp1, $4  }
0x2e: {  	[hbm4b:s11+s2] =	stream.linear.scatter [tilespmem:s8], [sflag:$0x2], $0x4000, $0x38;
	[tilespmem:$0x4080] =	vst v63  }
0x2f: {  	_ =	swait.ge [sflag:s7], $0x4000  }
0x30: {  	[sflag:s7] =	ssyncset.done $0x0  }
0x31: {  	[sflag:s7] =	ssyncadd.s32 $0xFFFFC000  }
0x32: {  	_ =	sfence.sel $0x180000  }
0x33: {  	[bflag:$0x0] =	sbarrier.arrive $0xFFFF  }
0x34: {  	p0 =	sne.s32 s1, $0x0;
	_ =	strace $0x90000047  }
0x35: {  	s0 =	sadd.s32 @!p0 $0x100000, s0;
	[bflag:$0x2] =	sbarrier.arrive $0xFFFF  }
0x36: {  	[sflag:s0] =	ssyncadd.tile.s32 @!p0 $0x1;
	_ =	shalt  }
.Lfunc_end2:
_tile_overlayer_lowered:
.L_overlay_start_2:
0x37: {  	(tag) =	ssettag $0x2  }
0x38: {  	s0 =	rddreg [dreg:$0x0];
	s2 =	stileid.u32  }
0x39: {  	s1 =	rddreg [dreg:$0x1];
	p0 =	sne.s32 s2, $0x0  }
0x3a: {  	s3 =	rddreg [dreg:$0x2];
	[bflag:$0x3] =	sbarrier.arrive $0xFFFF;
	s2 =	simm.s32 @!p0 $0x1C02  }
0x3b: {  	[timem:s3], [sflag:s2] =	dma.local @!p0 [hbm:s0], s1  }
0x3c: {  	s0 =	simm.s32 @!p0 $0x2  }
0x3d: {  	_ =	swait.ge @!p0 [sflag:s0], s1  }
0x3e: {  	s1 =	ssub.s32 @!p0 $0x0, s1;
	[sflag:s0] =	ssyncset.done @!p0 $0x0  }
0x3f: {  	[sflag:s0] =	ssyncadd.s32 @!p0 s1  }
0x40: {  	[bflag:$0x3] =	sbarrier.arrive $0xFFFF  }
0x41: {  	_ =	shalt  }

</sc_bundles>
